<compile_context>
chip_gen: v7x
topology: tpu7x:2x2x1
jax: 0.10.2.dev20260603
libtpu: 0.0.44.dev20260713+nightly
codegen_flags: <defaults>
</compile_context>

<pallas_src>
import functools

import jax
import jax.numpy as jnp
from jax import lax
from jax.experimental import pallas as pl
from jax.experimental.pallas import tpu as pltpu
from jax.experimental.pallas import tpu_sc as plsc

E = 8
TOPK = 2
H = 1024
DFF = 512
NSH = 2

N = 2048
NPAIR = N * TOPK
BLK = 512
NB = -(-NPAIR // BLK) + (E - 1)
PAD = NB * BLK

SC_NC = 2
SC_NS = 16
SC_NW = SC_NC * SC_NS
TOK_PER_W = N // SC_NW


def _gate_body(x_ref, gw_ref, pos1_ref, pos2_ref, w1_ref, w2_ref,
               be_ref, nbc_ref, bx_ref):
    x = x_ref[...]
    logits = lax.dot_general(x, gw_ref[...], (((1,), (1,)), ((), ())),
                             preferred_element_type=jnp.float32)
    m = jnp.max(logits, axis=-1, keepdims=True)
    p = jnp.exp(logits - m)
    scores = p / jnp.sum(p, axis=-1, keepdims=True)
    lanes = lax.broadcasted_iota(jnp.int32, scores.shape, 1)
    i1 = jnp.argmax(scores, axis=-1)
    s1 = jnp.max(scores, axis=-1)
    masked = jnp.where(lanes == i1[:, None], -jnp.inf, scores)
    i2 = jnp.argmax(masked, axis=-1)
    s2 = jnp.max(masked, axis=-1)
    den = s1 + s2 + 1e-20
    w1_ref[...] = s1 / den
    w2_ref[...] = s2 / den

    oh1 = (lanes == i1[:, None]).astype(jnp.int32)
    oh2 = (lanes == i2[:, None]).astype(jnp.int32)
    oh = oh1 + oh2
    inc = oh
    shift = 1
    while shift < N:
        inc = inc + jnp.pad(inc, ((shift, 0), (0, 0)))[:N, :]
        shift *= 2
    excl = inc - oh
    counts = inc[N - 1:N, :]
    nb = (counts + BLK - 1) // BLK
    nbc = nb
    shift = 1
    while shift < E:
        nbc = nbc + jnp.pad(nbc, ((0, 0), (shift, 0)))[:, :E]
        shift *= 2
    seg = (nbc - nb) * BLK
    pos_base = seg + excl
    pos1_ref[...] = jnp.sum(oh1 * pos_base, axis=1)
    pos2_ref[...] = jnp.sum(oh2 * (pos_base + oh1), axis=1)
    nbc_ref[...] = nbc.reshape(E)

    bb = lax.broadcasted_iota(jnp.int32, (NB, E), 0)
    be = jnp.sum((nbc <= bb).astype(jnp.int32), axis=1)
    be_ref[...] = jnp.clip(be, 0, E - 1)
    total = jnp.sum(jnp.where(
        lax.broadcasted_iota(jnp.int32, (1, E), 1) == E - 1, nbc, 0))
    bx_ref[...] = jnp.minimum(
        lax.broadcasted_iota(jnp.int32, (NB, E), 0)[:, 0], total - 1)


def _gate_call(x, gate_w):
    return pl.pallas_call(
        _gate_body,
        in_specs=[
            pl.BlockSpec((N, H), lambda: (0, 0)),
            pl.BlockSpec((E, H), lambda: (0, 0)),
        ],
        out_specs=[
            pl.BlockSpec((N,), lambda: (0,)),
            pl.BlockSpec((N,), lambda: (0,)),
            pl.BlockSpec((N,), lambda: (0,)),
            pl.BlockSpec((N,), lambda: (0,)),
            pl.BlockSpec((NB,), lambda: (0,)),
            pl.BlockSpec((E,), lambda: (0,)),
            pl.BlockSpec((NB,), lambda: (0,)),
        ],
        out_shape=[
            jax.ShapeDtypeStruct((N,), jnp.int32),
            jax.ShapeDtypeStruct((N,), jnp.int32),
            jax.ShapeDtypeStruct((N,), jnp.float32),
            jax.ShapeDtypeStruct((N,), jnp.float32),
            jax.ShapeDtypeStruct((NB,), jnp.int32),
            jax.ShapeDtypeStruct((E,), jnp.int32),
            jax.ShapeDtypeStruct((NB,), jnp.int32),
        ],
    )(x, gate_w)


def _sc_dispatch(x, pos1, pos2):

    def body(x_hbm, pos1_hbm, pos2_hbm, xs_hbm, idx_v, row_v, sem):
        wid = lax.axis_index("s") * SC_NC + lax.axis_index("c")
        base = wid * TOK_PER_W
        pltpu.sync_copy(x_hbm.at[pl.ds(base, TOK_PER_W)], row_v)
        for pos_hbm in (pos1_hbm, pos2_hbm):
            pltpu.sync_copy(pos_hbm.at[pl.ds(base, TOK_PER_W)], idx_v)
            pltpu.async_copy(row_v, xs_hbm.at[idx_v], sem).wait()

    mesh = plsc.VectorSubcoreMesh(core_axis_name="c", subcore_axis_name="s",
                                  num_cores=SC_NC, num_subcores=SC_NS)
    fn = pl.kernel(body,
                   out_type=jax.ShapeDtypeStruct((PAD, H), jnp.float32),
                   mesh=mesh,
                   scratch_types=[
                       pltpu.VMEM((TOK_PER_W,), jnp.int32),
                       pltpu.VMEM((TOK_PER_W, H), jnp.float32),
                       pltpu.SemaphoreType.DMA,
                   ])
    return fn(x, pos1, pos2)


def _sc_gather(table, pos1, pos2):
    h = int(table.shape[1])

    def body(table_hbm, pos1_hbm, pos2_hbm, out_hbm, iv, rv, sem):
        wid = lax.axis_index("s") * SC_NC + lax.axis_index("c")
        base = wid * TOK_PER_W
        for k, pos_hbm in enumerate((pos1_hbm, pos2_hbm)):
            pltpu.sync_copy(pos_hbm.at[pl.ds(base, TOK_PER_W)], iv)
            pltpu.async_copy(table_hbm.at[iv], rv, sem).wait()
            pltpu.sync_copy(rv, out_hbm.at[pl.ds(k * N + base, TOK_PER_W)])

    mesh = plsc.VectorSubcoreMesh(core_axis_name="c", subcore_axis_name="s",
                                  num_cores=SC_NC, num_subcores=SC_NS)
    fn = pl.kernel(body,
                   out_type=jax.ShapeDtypeStruct((TOPK * N, h), jnp.float32),
                   mesh=mesh,
                   scratch_types=[
                       pltpu.VMEM((TOK_PER_W,), jnp.int32),
                       pltpu.VMEM((TOK_PER_W, h), jnp.float32),
                       pltpu.SemaphoreType.DMA,
                   ])
    return fn(table, pos1, pos2)


def _routed_body(nbc_ref, be_ref, bx_ref, xs_ref, wg_ref, wu_ref, wd_ref,
                 ys_ref):
    i = pl.program_id(0)

    @pl.when(i < nbc_ref[E - 1])
    def _():
        x = xs_ref[...]
        hg = lax.dot_general(x, wg_ref[0], (((1,), (0,)), ((), ())),
                             preferred_element_type=jnp.float32)
        hu = lax.dot_general(x, wu_ref[0], (((1,), (0,)), ((), ())),
                             preferred_element_type=jnp.float32)
        act = (hg * lax.logistic(hg)) * hu
        ys_ref[...] = lax.dot_general(act, wd_ref[0], (((1,), (0,)), ((), ())),
                                      preferred_element_type=jnp.float32)


def _routed_call(nbc, block_expert, bx, xs, w_gate, w_up, w_down):
    grid_spec = pltpu.PrefetchScalarGridSpec(
        num_scalar_prefetch=3,
        grid=(NB,),
        in_specs=[
            pl.BlockSpec((BLK, H), lambda i, t, be, bx: (bx[i], 0)),
            pl.BlockSpec((1, H, DFF), lambda i, t, be, bx: (be[i], 0, 0)),
            pl.BlockSpec((1, H, DFF), lambda i, t, be, bx: (be[i], 0, 0)),
            pl.BlockSpec((1, DFF, H), lambda i, t, be, bx: (be[i], 0, 0)),
        ],
        out_specs=pl.BlockSpec((BLK, H), lambda i, t, be, bx: (bx[i], 0)),
    )
    return pl.pallas_call(
        _routed_body,
        grid_spec=grid_spec,
        out_shape=jax.ShapeDtypeStruct((PAD, H), jnp.float32),
        compiler_params=pltpu.CompilerParams(
            dimension_semantics=("arbitrary",)),
    )(nbc, block_expert, bx, xs, w_gate, w_up, w_down)


def _combine_body(x_ref, swg_ref, swu_ref, swd_ref, y0_ref, y1_ref,
                  w1_ref, w2_ref, y_ref):
    x = x_ref[...]
    hg = lax.dot_general(x, swg_ref[...], (((1,), (0,)), ((), ())),
                         preferred_element_type=jnp.float32)
    hu = lax.dot_general(x, swu_ref[...], (((1,), (0,)), ((), ())),
                         preferred_element_type=jnp.float32)
    act = (hg * lax.logistic(hg)) * hu
    shared = lax.dot_general(act, swd_ref[...], (((1,), (0,)), ((), ())),
                             preferred_element_type=jnp.float32)
    y_ref[...] = shared + w1_ref[...] * y0_ref[...] + w2_ref[...] * y1_ref[...]


def _combine_call(x, sw_gate, sw_up, sw_down, y01, w1, w2):
    bt = 512
    tb = N // bt
    return pl.pallas_call(
        _combine_body,
        grid=(tb,),
        in_specs=[
            pl.BlockSpec((bt, H), lambda t: (t, 0)),
            pl.BlockSpec((H, DFF * NSH), lambda t: (0, 0)),
            pl.BlockSpec((H, DFF * NSH), lambda t: (0, 0)),
            pl.BlockSpec((DFF * NSH, H), lambda t: (0, 0)),
            pl.BlockSpec((bt, H), lambda t: (t, 0)),
            pl.BlockSpec((bt, H), lambda t: (t + tb, 0)),
            pl.BlockSpec((bt, 1), lambda t: (t, 0)),
            pl.BlockSpec((bt, 1), lambda t: (t, 0)),
        ],
        out_specs=pl.BlockSpec((bt, H), lambda t: (t, 0)),
        out_shape=jax.ShapeDtypeStruct((N, H), jnp.float32),
        compiler_params=pltpu.CompilerParams(
            dimension_semantics=("parallel",)),
    )(x, sw_gate, sw_up, sw_down, y01, y01, w1, w2)


def kernel(hidden_states, gate_w, w_gate, w_up, w_down, sw_gate, sw_up, sw_down):
    b, s, h = hidden_states.shape
    x = hidden_states.reshape(-1, h)

    pos1, pos2, w1, w2, block_expert, nbc, bx = _gate_call(x, gate_w)

    xs = _sc_dispatch(x, pos1, pos2)

    ys = _routed_call(nbc, block_expert, bx, xs, w_gate, w_up, w_down)

    y01 = _sc_gather(ys, pos1, pos2)

    y = _combine_call(x, sw_gate, sw_up, sw_down, y01,
                      w1[:, None], w2[:, None])
    return y.reshape(b, s, h)

# --- scband reference (transcript-rebuilt; emitter-appended) ---
"""Pipeline reference for scband-mo-e-78151224918194 (READ-ONLY COPY).

The authoritative reference and input builder live on the scoring server;
editing this copy changes nothing except your own understanding.
"""

import jax, jax.numpy as jnp
import numpy as np

E = 8
TOPK = 2
H = 1024
DFF = 512
NSH = 2
B = 1
S = 2048


def setup_inputs(seed: int = 0) -> dict:
    key = jax.random.key(seed)
    ks = jax.random.split(key, 8)
    hidden_states = jax.random.normal(ks[0], (B, S, H), dtype=jnp.float32)
    # gate weight, kaiming-uniform-ish scale
    gate_w = jax.random.normal(ks[1], (E, H), dtype=jnp.float32) * (1.0 / np.sqrt(H))
    # routed expert weights (SwiGLU MLP per expert)
    w_gate = jax.random.normal(ks[2], (E, H, DFF), dtype=jnp.float32) * 0.02
    w_up = jax.random.normal(ks[3], (E, H, DFF), dtype=jnp.float32) * 0.02
    w_down = jax.random.normal(ks[4], (E, DFF, H), dtype=jnp.float32) * 0.02
    # shared expert (intermediate = DFF * NSH)
    sw_gate = jax.random.normal(ks[5], (H, DFF * NSH), dtype=jnp.float32) * 0.02
    sw_up = jax.random.normal(ks[6], (H, DFF * NSH), dtype=jnp.float32) * 0.02
    sw_down = jax.random.normal(ks[7], (DFF * NSH, H), dtype=jnp.float32) * 0.02
    return {
        'hidden_states': hidden_states,
        'gate_w': gate_w,
        'w_gate': w_gate,
        'w_up': w_up,
        'w_down': w_down,
        'sw_gate': sw_gate,
        'sw_up': sw_up,
        'sw_down': sw_down,
    }


def reference(hidden_states, gate_w, w_gate, w_up, w_down, sw_gate, sw_up, sw_down):
    b, s, h = hidden_states.shape
    x = hidden_states.reshape(-1, h)
    n_tok = x.shape[0]
    # --- MoEGate ---
    logits = x @ gate_w.T                      # [N, E]
    scores = jax.nn.softmax(logits, axis=-1)
    topk_weight, topk_idx = jax.lax.top_k(scores, TOPK)  # [N, K]
    # norm_topk_prob
    denom = jnp.sum(topk_weight, axis=-1, keepdims=True) + 1e-20
    topk_weight = topk_weight / denom
    # aux_loss is None (eval path / alpha=0)
    # --- moe_infer: scatter top-k weights into per-expert combine weights ---
    row = jnp.arange(n_tok)[:, None]
    cw = jnp.zeros((n_tok, E), dtype=x.dtype).at[row, topk_idx].add(topk_weight)  # [N, E]
    y = jnp.zeros_like(x)
    for e in range(E):
        hgate = jax.nn.silu(x @ w_gate[e]) * (x @ w_up[e])
        out = hgate @ w_down[e]
        y = y + out * cw[:, e:e + 1]
    # --- shared experts ---
    shared = (jax.nn.silu(x @ sw_gate) * (x @ sw_up)) @ sw_down
    y = y + shared
    return y.reshape(b, s, h)

if __name__ == "__main__":
    import jax
    _d = setup_inputs()
    print(jax.jit(kernel)(*tuple(_d.values())))

</pallas_src>

<mosaic_0001>
#map = affine_map<(d0, d1) -> (0, 0)>
#map1 = affine_map<(d0, d1) -> (0)>
module attributes {stable_mosaic.version = 14 : i64} {
  func.func @body(%arg0: i32, %arg1: i32, %arg2: memref<7680x1024xf32, #tpu.memory_space<hbm>>, %arg3: memref<2048xi32, #tpu.memory_space<hbm>>, %arg4: memref<2048xi32, #tpu.memory_space<hbm>>, %arg5: memref<4096x1024xf32, #tpu.memory_space<hbm>>, %arg6: memref<64xi32, #tpu.memory_space<vmem>>, %arg7: memref<64x1024xf32, #tpu.memory_space<vmem>>, %arg8: memref<!tpu.dma_semaphore, #tpu.memory_space<semaphore_mem>>) attributes {dimension_semantics = [#tpu.dimension_semantics<core_parallel>, #tpu.dimension_semantics<subcore_parallel>], iteration_bounds = array<i64: 2, 16>, scalar_prefetch = 0 : i64, scratch_operands = 3 : i64, tpu.core_type = #tpu.core_type<sc_vector_subcore>, window_params = [{transform_indices = #map}, {transform_indices = #map1}, {transform_indices = #map1}, {transform_indices = #map}]} {
    %mul3A = arith.constant 2 : i32
    %mul3A_0 = arith.muli %arg1, %mul3A : i32
    %add3A = arith.addi %mul3A_0, %arg0 : i32
    %mul3A_1 = arith.constant 64 : i32
    %mul3A_2 = arith.muli %add3A, %mul3A_1 : i32
    "tpu.region"() ({
      %run_scoped3A = tpu.sem_alloc : memref<!tpu.dma_semaphore, #tpu.memory_space<semaphore_mem>>
      %dma_start3A_17 = tpu.memref_slice %arg3[%mul3A_2] : memref<2048xi32, #tpu.memory_space<hbm>> -> memref<64xi32, #tpu.memory_space<hbm>>
      %dma_start3A_18 = tpu.memref_slice %arg3[%mul3A_2] : memref<2048xi32, #tpu.memory_space<hbm>> -> memref<64xi32, #tpu.memory_space<hbm>>
      tpu.enqueue_dma source(%dma_start3A_18 : memref<64xi32, #tpu.memory_space<hbm>>) target(%arg6 : memref<64xi32, #tpu.memory_space<vmem>>) target_semaphore(%run_scoped3A : memref<!tpu.dma_semaphore, #tpu.memory_space<semaphore_mem>>)
      %dma_wait3A_19 = tpu.memref_slice %arg3[%mul3A_2] : memref<2048xi32, #tpu.memory_space<hbm>> -> memref<64xi32, #tpu.memory_space<hbm>>
      %dma_wait3A_20 = tpu.memref_slice %arg3[%mul3A_2] : memref<2048xi32, #tpu.memory_space<hbm>> -> memref<64xi32, #tpu.memory_space<hbm>>
      tpu.wait_dma2 semaphore(%run_scoped3A : memref<!tpu.dma_semaphore, #tpu.memory_space<semaphore_mem>>) src(%dma_wait3A_20 : memref<64xi32, #tpu.memory_space<hbm>>) dst(%arg6 : memref<64xi32, #tpu.memory_space<vmem>>)
      tpu.yield
    }) : () -> ()
    %dma_start3A = arith.constant 0 : i32
    %dma_start3A_3 = arith.constant 0 : i32
    %dma_start3A_4 = tpu.memref_slice %arg2[%dma_start3A, %dma_start3A_3] : memref<7680x1024xf32, #tpu.memory_space<hbm>> -> memref<7680x1024xf32, #tpu.memory_space<hbm>>
    tpu.enqueue_indirect_dma source(%dma_start3A_4 : memref<7680x1024xf32, #tpu.memory_space<hbm>>) target(%arg7 : memref<64x1024xf32, #tpu.memory_space<vmem>>) offsets(%arg6 : memref<64xi32, #tpu.memory_space<vmem>>) semaphore(%arg8 : memref<!tpu.dma_semaphore, #tpu.memory_space<semaphore_mem>>)
    %dma_wait3A = arith.constant 0 : i32
    %dma_wait3A_5 = arith.constant 0 : i32
    %dma_wait3A_6 = tpu.memref_slice %arg2[%dma_wait3A, %dma_wait3A_5] : memref<7680x1024xf32, #tpu.memory_space<hbm>> -> memref<7680x1024xf32, #tpu.memory_space<hbm>>
    tpu.wait_indirect_dma semaphore(%arg8 : memref<!tpu.dma_semaphore, #tpu.memory_space<semaphore_mem>>) src(%dma_wait3A_6 : memref<7680x1024xf32, #tpu.memory_space<hbm>>) dst(%arg7 : memref<64x1024xf32, #tpu.memory_space<vmem>>)
    %add3A_7 = arith.constant 0 : i32
    %add3A_8 = arith.addi %add3A_7, %mul3A_2 : i32
    "tpu.region"() ({
      %run_scoped3A = tpu.sem_alloc : memref<!tpu.dma_semaphore, #tpu.memory_space<semaphore_mem>>
      %dma_start3A_17 = arith.constant 0 : i32
      %dma_start3A_18 = tpu.memref_slice %arg5[%add3A_8, %dma_start3A_17] : memref<4096x1024xf32, #tpu.memory_space<hbm>> -> memref<64x1024xf32, #tpu.memory_space<hbm>>
      %dma_start3A_19 = arith.constant 0 : i32
      %dma_start3A_20 = tpu.memref_slice %arg5[%add3A_8, %dma_start3A_19] : memref<4096x1024xf32, #tpu.memory_space<hbm>> -> memref<64x1024xf32, #tpu.memory_space<hbm>>
      tpu.enqueue_dma source(%arg7 : memref<64x1024xf32, #tpu.memory_space<vmem>>) target(%dma_start3A_20 : memref<64x1024xf32, #tpu.memory_space<hbm>>) target_semaphore(%run_scoped3A : memref<!tpu.dma_semaphore, #tpu.memory_space<semaphore_mem>>)
      %dma_wait3A_21 = arith.constant 0 : i32
      %dma_wait3A_22 = tpu.memref_slice %arg5[%add3A_8, %dma_wait3A_21] : memref<4096x1024xf32, #tpu.memory_space<hbm>> -> memref<64x1024xf32, #tpu.memory_space<hbm>>
      %dma_wait3A_23 = arith.constant 0 : i32
      %dma_wait3A_24 = tpu.memref_slice %arg5[%add3A_8, %dma_wait3A_23] : memref<4096x1024xf32, #tpu.memory_space<hbm>> -> memref<64x1024xf32, #tpu.memory_space<hbm>>
      tpu.wait_dma2 semaphore(%run_scoped3A : memref<!tpu.dma_semaphore, #tpu.memory_space<semaphore_mem>>) src(%arg7 : memref<64x1024xf32, #tpu.memory_space<vmem>>) dst(%dma_wait3A_24 : memref<64x1024xf32, #tpu.memory_space<hbm>>)
      tpu.yield
    }) : () -> ()
    "tpu.region"() ({
      %run_scoped3A = tpu.sem_alloc : memref<!tpu.dma_semaphore, #tpu.memory_space<semaphore_mem>>
      %dma_start3A_17 = tpu.memref_slice %arg4[%mul3A_2] : memref<2048xi32, #tpu.memory_space<hbm>> -> memref<64xi32, #tpu.memory_space<hbm>>
      %dma_start3A_18 = tpu.memref_slice %arg4[%mul3A_2] : memref<2048xi32, #tpu.memory_space<hbm>> -> memref<64xi32, #tpu.memory_space<hbm>>
      tpu.enqueue_dma source(%dma_start3A_18 : memref<64xi32, #tpu.memory_space<hbm>>) target(%arg6 : memref<64xi32, #tpu.memory_space<vmem>>) target_semaphore(%run_scoped3A : memref<!tpu.dma_semaphore, #tpu.memory_space<semaphore_mem>>)
      %dma_wait3A_19 = tpu.memref_slice %arg4[%mul3A_2] : memref<2048xi32, #tpu.memory_space<hbm>> -> memref<64xi32, #tpu.memory_space<hbm>>
      %dma_wait3A_20 = tpu.memref_slice %arg4[%mul3A_2] : memref<2048xi32, #tpu.memory_space<hbm>> -> memref<64xi32, #tpu.memory_space<hbm>>
      tpu.wait_dma2 semaphore(%run_scoped3A : memref<!tpu.dma_semaphore, #tpu.memory_space<semaphore_mem>>) src(%dma_wait3A_20 : memref<64xi32, #tpu.memory_space<hbm>>) dst(%arg6 : memref<64xi32, #tpu.memory_space<vmem>>)
      tpu.yield
    }) : () -> ()
    %dma_start3A_9 = arith.constant 0 : i32
    %dma_start3A_10 = arith.constant 0 : i32
    %dma_start3A_11 = tpu.memref_slice %arg2[%dma_start3A_9, %dma_start3A_10] : memref<7680x1024xf32, #tpu.memory_space<hbm>> -> memref<7680x1024xf32, #tpu.memory_space<hbm>>
    tpu.enqueue_indirect_dma source(%dma_start3A_11 : memref<7680x1024xf32, #tpu.memory_space<hbm>>) target(%arg7 : memref<64x1024xf32, #tpu.memory_space<vmem>>) offsets(%arg6 : memref<64xi32, #tpu.memory_space<vmem>>) semaphore(%arg8 : memref<!tpu.dma_semaphore, #tpu.memory_space<semaphore_mem>>)
    %dma_wait3A_12 = arith.constant 0 : i32
    %dma_wait3A_13 = arith.constant 0 : i32
    %dma_wait3A_14 = tpu.memref_slice %arg2[%dma_wait3A_12, %dma_wait3A_13] : memref<7680x1024xf32, #tpu.memory_space<hbm>> -> memref<7680x1024xf32, #tpu.memory_space<hbm>>
    tpu.wait_indirect_dma semaphore(%arg8 : memref<!tpu.dma_semaphore, #tpu.memory_space<semaphore_mem>>) src(%dma_wait3A_14 : memref<7680x1024xf32, #tpu.memory_space<hbm>>) dst(%arg7 : memref<64x1024xf32, #tpu.memory_space<vmem>>)
    %add3A_15 = arith.constant 2048 : i32
    %add3A_16 = arith.addi %add3A_15, %mul3A_2 : i32
    "tpu.region"() ({
      %run_scoped3A = tpu.sem_alloc : memref<!tpu.dma_semaphore, #tpu.memory_space<semaphore_mem>>
      %dma_start3A_17 = arith.constant 0 : i32
      %dma_start3A_18 = tpu.memref_slice %arg5[%add3A_16, %dma_start3A_17] : memref<4096x1024xf32, #tpu.memory_space<hbm>> -> memref<64x1024xf32, #tpu.memory_space<hbm>>
      %dma_start3A_19 = arith.constant 0 : i32
      %dma_start3A_20 = tpu.memref_slice %arg5[%add3A_16, %dma_start3A_19] : memref<4096x1024xf32, #tpu.memory_space<hbm>> -> memref<64x1024xf32, #tpu.memory_space<hbm>>
      tpu.enqueue_dma source(%arg7 : memref<64x1024xf32, #tpu.memory_space<vmem>>) target(%dma_start3A_20 : memref<64x1024xf32, #tpu.memory_space<hbm>>) target_semaphore(%run_scoped3A : memref<!tpu.dma_semaphore, #tpu.memory_space<semaphore_mem>>)
      %dma_wait3A_21 = arith.constant 0 : i32
      %dma_wait3A_22 = tpu.memref_slice %arg5[%add3A_16, %dma_wait3A_21] : memref<4096x1024xf32, #tpu.memory_space<hbm>> -> memref<64x1024xf32, #tpu.memory_space<hbm>>
      %dma_wait3A_23 = arith.constant 0 : i32
      %dma_wait3A_24 = tpu.memref_slice %arg5[%add3A_16, %dma_wait3A_23] : memref<4096x1024xf32, #tpu.memory_space<hbm>> -> memref<64x1024xf32, #tpu.memory_space<hbm>>
      tpu.wait_dma2 semaphore(%run_scoped3A : memref<!tpu.dma_semaphore, #tpu.memory_space<semaphore_mem>>) src(%arg7 : memref<64x1024xf32, #tpu.memory_space<vmem>>) dst(%dma_wait3A_24 : memref<64x1024xf32, #tpu.memory_space<hbm>>)
      tpu.yield
    }) : () -> ()
    return
  }
}

#map = affine_map<(d0, d1) -> (0, 0)>
#map1 = affine_map<(d0, d1) -> (0)>
module attributes {stable_mosaic.version = 14 : i64} {
  func.func @body(%arg0: i32, %arg1: i32, %arg2: memref<2048x1024xf32, #tpu.memory_space<hbm>>, %arg3: memref<2048xi32, #tpu.memory_space<hbm>>, %arg4: memref<2048xi32, #tpu.memory_space<hbm>>, %arg5: memref<7680x1024xf32, #tpu.memory_space<hbm>>, %arg6: memref<64xi32, #tpu.memory_space<vmem>>, %arg7: memref<64x1024xf32, #tpu.memory_space<vmem>>, %arg8: memref<!tpu.dma_semaphore, #tpu.memory_space<semaphore_mem>>) attributes {dimension_semantics = [#tpu.dimension_semantics<core_parallel>, #tpu.dimension_semantics<subcore_parallel>], iteration_bounds = array<i64: 2, 16>, scalar_prefetch = 0 : i64, scratch_operands = 3 : i64, tpu.core_type = #tpu.core_type<sc_vector_subcore>, window_params = [{transform_indices = #map}, {transform_indices = #map1}, {transform_indices = #map1}, {transform_indices = #map}]} {
    %mul3A = arith.constant 2 : i32
    %mul3A_0 = arith.muli %arg1, %mul3A : i32
    %add3A = arith.addi %mul3A_0, %arg0 : i32
    %mul3A_1 = arith.constant 64 : i32
    %mul3A_2 = arith.muli %add3A, %mul3A_1 : i32
    "tpu.region"() ({
      %run_scoped3A = tpu.sem_alloc : memref<!tpu.dma_semaphore, #tpu.memory_space<semaphore_mem>>
      %dma_start3A_13 = arith.constant 0 : i32
      %dma_start3A_14 = tpu.memref_slice %arg2[%mul3A_2, %dma_start3A_13] : memref<2048x1024xf32, #tpu.memory_space<hbm>> -> memref<64x1024xf32, #tpu.memory_space<hbm>>
      %dma_start3A_15 = arith.constant 0 : i32
      %dma_start3A_16 = tpu.memref_slice %arg2[%mul3A_2, %dma_start3A_15] : memref<2048x1024xf32, #tpu.memory_space<hbm>> -> memref<64x1024xf32, #tpu.memory_space<hbm>>
      tpu.enqueue_dma source(%dma_start3A_16 : memref<64x1024xf32, #tpu.memory_space<hbm>>) target(%arg7 : memref<64x1024xf32, #tpu.memory_space<vmem>>) target_semaphore(%run_scoped3A : memref<!tpu.dma_semaphore, #tpu.memory_space<semaphore_mem>>)
      %dma_wait3A_17 = arith.constant 0 : i32
      %dma_wait3A_18 = tpu.memref_slice %arg2[%mul3A_2, %dma_wait3A_17] : memref<2048x1024xf32, #tpu.memory_space<hbm>> -> memref<64x1024xf32, #tpu.memory_space<hbm>>
      %dma_wait3A_19 = arith.constant 0 : i32
      %dma_wait3A_20 = tpu.memref_slice %arg2[%mul3A_2, %dma_wait3A_19] : memref<2048x1024xf32, #tpu.memory_space<hbm>> -> memref<64x1024xf32, #tpu.memory_space<hbm>>
      tpu.wait_dma2 semaphore(%run_scoped3A : memref<!tpu.dma_semaphore, #tpu.memory_space<semaphore_mem>>) src(%dma_wait3A_20 : memref<64x1024xf32, #tpu.memory_space<hbm>>) dst(%arg7 : memref<64x1024xf32, #tpu.memory_space<vmem>>)
      tpu.yield
    }) : () -> ()
    "tpu.region"() ({
      %run_scoped3A = tpu.sem_alloc : memref<!tpu.dma_semaphore, #tpu.memory_space<semaphore_mem>>
      %dma_start3A_13 = tpu.memref_slice %arg3[%mul3A_2] : memref<2048xi32, #tpu.memory_space<hbm>> -> memref<64xi32, #tpu.memory_space<hbm>>
      %dma_start3A_14 = tpu.memref_slice %arg3[%mul3A_2] : memref<2048xi32, #tpu.memory_space<hbm>> -> memref<64xi32, #tpu.memory_space<hbm>>
      tpu.enqueue_dma source(%dma_start3A_14 : memref<64xi32, #tpu.memory_space<hbm>>) target(%arg6 : memref<64xi32, #tpu.memory_space<vmem>>) target_semaphore(%run_scoped3A : memref<!tpu.dma_semaphore, #tpu.memory_space<semaphore_mem>>)
      %dma_wait3A_15 = tpu.memref_slice %arg3[%mul3A_2] : memref<2048xi32, #tpu.memory_space<hbm>> -> memref<64xi32, #tpu.memory_space<hbm>>
      %dma_wait3A_16 = tpu.memref_slice %arg3[%mul3A_2] : memref<2048xi32, #tpu.memory_space<hbm>> -> memref<64xi32, #tpu.memory_space<hbm>>
      tpu.wait_dma2 semaphore(%run_scoped3A : memref<!tpu.dma_semaphore, #tpu.memory_space<semaphore_mem>>) src(%dma_wait3A_16 : memref<64xi32, #tpu.memory_space<hbm>>) dst(%arg6 : memref<64xi32, #tpu.memory_space<vmem>>)
      tpu.yield
    }) : () -> ()
    %dma_start3A = arith.constant 0 : i32
    %dma_start3A_3 = arith.constant 0 : i32
    %dma_start3A_4 = tpu.memref_slice %arg5[%dma_start3A, %dma_start3A_3] : memref<7680x1024xf32, #tpu.memory_space<hbm>> -> memref<7680x1024xf32, #tpu.memory_space<hbm>>
    tpu.enqueue_indirect_dma source(%arg7 : memref<64x1024xf32, #tpu.memory_space<vmem>>) target(%dma_start3A_4 : memref<7680x1024xf32, #tpu.memory_space<hbm>>) offsets(%arg6 : memref<64xi32, #tpu.memory_space<vmem>>) semaphore(%arg8 : memref<!tpu.dma_semaphore, #tpu.memory_space<semaphore_mem>>)
    %dma_wait3A = arith.constant 0 : i32
    %dma_wait3A_5 = arith.constant 0 : i32
    %dma_wait3A_6 = tpu.memref_slice %arg5[%dma_wait3A, %dma_wait3A_5] : memref<7680x1024xf32, #tpu.memory_space<hbm>> -> memref<7680x1024xf32, #tpu.memory_space<hbm>>
    tpu.wait_indirect_dma semaphore(%arg8 : memref<!tpu.dma_semaphore, #tpu.memory_space<semaphore_mem>>) src(%arg7 : memref<64x1024xf32, #tpu.memory_space<vmem>>) dst(%dma_wait3A_6 : memref<7680x1024xf32, #tpu.memory_space<hbm>>)
    "tpu.region"() ({
      %run_scoped3A = tpu.sem_alloc : memref<!tpu.dma_semaphore, #tpu.memory_space<semaphore_mem>>
      %dma_start3A_13 = tpu.memref_slice %arg4[%mul3A_2] : memref<2048xi32, #tpu.memory_space<hbm>> -> memref<64xi32, #tpu.memory_space<hbm>>
      %dma_start3A_14 = tpu.memref_slice %arg4[%mul3A_2] : memref<2048xi32, #tpu.memory_space<hbm>> -> memref<64xi32, #tpu.memory_space<hbm>>
      tpu.enqueue_dma source(%dma_start3A_14 : memref<64xi32, #tpu.memory_space<hbm>>) target(%arg6 : memref<64xi32, #tpu.memory_space<vmem>>) target_semaphore(%run_scoped3A : memref<!tpu.dma_semaphore, #tpu.memory_space<semaphore_mem>>)
      %dma_wait3A_15 = tpu.memref_slice %arg4[%mul3A_2] : memref<2048xi32, #tpu.memory_space<hbm>> -> memref<64xi32, #tpu.memory_space<hbm>>
      %dma_wait3A_16 = tpu.memref_slice %arg4[%mul3A_2] : memref<2048xi32, #tpu.memory_space<hbm>> -> memref<64xi32, #tpu.memory_space<hbm>>
      tpu.wait_dma2 semaphore(%run_scoped3A : memref<!tpu.dma_semaphore, #tpu.memory_space<semaphore_mem>>) src(%dma_wait3A_16 : memref<64xi32, #tpu.memory_space<hbm>>) dst(%arg6 : memref<64xi32, #tpu.memory_space<vmem>>)
      tpu.yield
    }) : () -> ()
    %dma_start3A_7 = arith.constant 0 : i32
    %dma_start3A_8 = arith.constant 0 : i32
    %dma_start3A_9 = tpu.memref_slice %arg5[%dma_start3A_7, %dma_start3A_8] : memref<7680x1024xf32, #tpu.memory_space<hbm>> -> memref<7680x1024xf32, #tpu.memory_space<hbm>>
    tpu.enqueue_indirect_dma source(%arg7 : memref<64x1024xf32, #tpu.memory_space<vmem>>) target(%dma_start3A_9 : memref<7680x1024xf32, #tpu.memory_space<hbm>>) offsets(%arg6 : memref<64xi32, #tpu.memory_space<vmem>>) semaphore(%arg8 : memref<!tpu.dma_semaphore, #tpu.memory_space<semaphore_mem>>)
    %dma_wait3A_10 = arith.constant 0 : i32
    %dma_wait3A_11 = arith.constant 0 : i32
    %dma_wait3A_12 = tpu.memref_slice %arg5[%dma_wait3A_10, %dma_wait3A_11] : memref<7680x1024xf32, #tpu.memory_space<hbm>> -> memref<7680x1024xf32, #tpu.memory_space<hbm>>
    tpu.wait_indirect_dma semaphore(%arg8 : memref<!tpu.dma_semaphore, #tpu.memory_space<semaphore_mem>>) src(%arg7 : memref<64x1024xf32, #tpu.memory_space<vmem>>) dst(%dma_wait3A_12 : memref<7680x1024xf32, #tpu.memory_space<hbm>>)
    return
  }
}

module attributes {stable_mosaic.version = 14 : i64} {
  func.func @_combine_body(%arg0: i32, %arg1: memref<512x1024xf32, #tpu.memory_space<vmem>>, %arg2: memref<1024x1024xf32, #tpu.memory_space<vmem>>, %arg3: memref<1024x1024xf32, #tpu.memory_space<vmem>>, %arg4: memref<1024x1024xf32, #tpu.memory_space<vmem>>, %arg5: memref<512x1024xf32, #tpu.memory_space<vmem>>, %arg6: memref<512x1024xf32, #tpu.memory_space<vmem>>, %arg7: memref<512x1xf32, #tpu.memory_space<vmem>>, %arg8: memref<512x1xf32, #tpu.memory_space<vmem>>, %arg9: memref<512x1024xf32, #tpu.memory_space<vmem>>) attributes {dimension_semantics = [#tpu.dimension_semantics<parallel>], iteration_bounds = array<i64: 4>, scalar_prefetch = 0 : i64, scratch_operands = 0 : i64, tpu.core_type = #tpu.core_type<tc>, window_params = [{transform_indices = @transform_0, window_bounds = array<i64: 512, 1024>}, {pipeline_mode = #tpu.pipeline_mode<synchronous>, transform_indices = @transform_1, window_bounds = array<i64: 1024, 1024>}, {pipeline_mode = #tpu.pipeline_mode<synchronous>, transform_indices = @transform_2, window_bounds = array<i64: 1024, 1024>}, {pipeline_mode = #tpu.pipeline_mode<synchronous>, transform_indices = @transform_3, window_bounds = array<i64: 1024, 1024>}, {transform_indices = @transform_4, window_bounds = array<i64: 512, 1024>}, {transform_indices = @transform_5, window_bounds = array<i64: 512, 1024>}, {transform_indices = @transform_6, window_bounds = array<i64: 512, 1>}, {transform_indices = @transform_7, window_bounds = array<i64: 512, 1>}, {transform_indices = @transform_8, window_bounds = array<i64: 512, 1024>}]} {
    %get3A = arith.constant 0 : index
    %get3A_0 = arith.constant 0 : index
    %get3A_1 = vector.load %arg1[%get3A, %get3A_0] : memref<512x1024xf32, #tpu.memory_space<vmem>>, vector<512x1024xf32>
    %get3A_2 = arith.constant 0 : index
    %get3A_3 = arith.constant 0 : index
    %get3A_4 = vector.load %arg2[%get3A_2, %get3A_3] : memref<1024x1024xf32, #tpu.memory_space<vmem>>, vector<1024x1024xf32>
    %dot_general3A = arith.constant dense<0.000000e+00> : vector<512x1024xf32>
    %dot_general3A_5 = tpu.matmul %get3A_1, %get3A_4, %dot_general3A {dimension_numbers = #tpu.dot_dimension_numbers<[1], [0], [0], [1], [0, 0, 1, 1], [], []>, transpose_lhs_hint = false} : vector<512x1024xf32>, vector<1024x1024xf32>, vector<512x1024xf32> -> vector<512x1024xf32>
    %get3A_6 = arith.constant 0 : index
    %get3A_7 = arith.constant 0 : index
    %get3A_8 = vector.load %arg3[%get3A_6, %get3A_7] : memref<1024x1024xf32, #tpu.memory_space<vmem>>, vector<1024x1024xf32>
    %dot_general3A_9 = arith.constant dense<0.000000e+00> : vector<512x1024xf32>
    %dot_general3A_10 = tpu.matmul %get3A_1, %get3A_8, %dot_general3A_9 {dimension_numbers = #tpu.dot_dimension_numbers<[1], [0], [0], [1], [0, 0, 1, 1], [], []>, transpose_lhs_hint = false} : vector<512x1024xf32>, vector<1024x1024xf32>, vector<512x1024xf32> -> vector<512x1024xf32>
    %logistic3A = arith.negf %dot_general3A_5 : vector<512x1024xf32>
    %logistic3A_11 = math.exp %logistic3A : vector<512x1024xf32>
    %logistic3A_12 = arith.constant 1.000000e+00 : f32
    %logistic3A_13 = vector.broadcast %logistic3A_12 : f32 to vector<512x1024xf32>
    %logistic3A_14 = arith.addf %logistic3A_13, %logistic3A_11 : vector<512x1024xf32>
    %logistic3A_15 = arith.divf %logistic3A_13, %logistic3A_14 : vector<512x1024xf32>
    %mul3A = arith.mulf %dot_general3A_5, %logistic3A_15 : vector<512x1024xf32>
    %mul3A_16 = arith.mulf %mul3A, %dot_general3A_10 : vector<512x1024xf32>
    %get3A_17 = arith.constant 0 : index
    %get3A_18 = arith.constant 0 : index
    %get3A_19 = vector.load %arg4[%get3A_17, %get3A_18] : memref<1024x1024xf32, #tpu.memory_space<vmem>>, vector<1024x1024xf32>
    %dot_general3A_20 = arith.constant dense<0.000000e+00> : vector<512x1024xf32>
    %dot_general3A_21 = tpu.matmul %mul3A_16, %get3A_19, %dot_general3A_20 {dimension_numbers = #tpu.dot_dimension_numbers<[1], [0], [0], [1], [0, 0, 1, 1], [], []>, transpose_lhs_hint = false} : vector<512x1024xf32>, vector<1024x1024xf32>, vector<512x1024xf32> -> vector<512x1024xf32>
    %get3A_22 = arith.constant 0 : index
    %get3A_23 = arith.constant 0 : index
    %get3A_24 = vector.load %arg7[%get3A_22, %get3A_23] : memref<512x1xf32, #tpu.memory_space<vmem>>, vector<512x1xf32>
    %get3A_25 = arith.constant 0 : index
    %get3A_26 = arith.constant 0 : index
    %get3A_27 = vector.load %arg5[%get3A_25, %get3A_26] : memref<512x1024xf32, #tpu.memory_space<vmem>>, vector<512x1024xf32>
    %mul3A_28 = vector.broadcast %get3A_24 : vector<512x1xf32> to vector<512x1024xf32>
    %mul3A_29 = arith.mulf %mul3A_28, %get3A_27 : vector<512x1024xf32>
    %add3A = arith.addf %dot_general3A_21, %mul3A_29 : vector<512x1024xf32>
    %get3A_30 = arith.constant 0 : index
    %get3A_31 = arith.constant 0 : index
    %get3A_32 = vector.load %arg8[%get3A_30, %get3A_31] : memref<512x1xf32, #tpu.memory_space<vmem>>, vector<512x1xf32>
    %get3A_33 = arith.constant 0 : index
    %get3A_34 = arith.constant 0 : index
    %get3A_35 = vector.load %arg6[%get3A_33, %get3A_34] : memref<512x1024xf32, #tpu.memory_space<vmem>>, vector<512x1024xf32>
    %mul3A_36 = vector.broadcast %get3A_32 : vector<512x1xf32> to vector<512x1024xf32>
    %mul3A_37 = arith.mulf %mul3A_36, %get3A_35 : vector<512x1024xf32>
    %add3A_38 = arith.addf %add3A, %mul3A_37 : vector<512x1024xf32>
    %swap3A = arith.constant 0 : index
    %swap3A_39 = arith.constant 0 : index
    %swap3A_40 = vector.load %arg9[%swap3A, %swap3A_39] : memref<512x1024xf32, #tpu.memory_space<vmem>>, vector<512x1024xf32>
    tpu.vector_store %arg9[%swap3A, %swap3A_39], %add3A_38 {strides = array<i32>} : memref<512x1024xf32, #tpu.memory_space<vmem>>, vector<512x1024xf32>,
    return
  }
  func.func @transform_0(%arg0: i32) -> (i32, i32) {
    %c0_i32 = arith.constant 0 : i32
    %c0_i32_0 = arith.constant 0 : i32
    return %arg0, %c0_i32 : i32, i32
  }
  func.func @transform_1(%arg0: i32) -> (i32, i32) {
    %c0_i32 = arith.constant 0 : i32
    %c0_i32_0 = arith.constant 0 : i32
    %c0_i32_1 = arith.constant 0 : i32
    return %c0_i32, %c0_i32_0 : i32, i32
  }
  func.func @transform_2(%arg0: i32) -> (i32, i32) {
    %c0_i32 = arith.constant 0 : i32
    %c0_i32_0 = arith.constant 0 : i32
    %c0_i32_1 = arith.constant 0 : i32
    return %c0_i32, %c0_i32_0 : i32, i32
  }
  func.func @transform_3(%arg0: i32) -> (i32, i32) {
    %c0_i32 = arith.constant 0 : i32
    %c0_i32_0 = arith.constant 0 : i32
    %c0_i32_1 = arith.constant 0 : i32
    return %c0_i32, %c0_i32_0 : i32, i32
  }
  func.func @transform_4(%arg0: i32) -> (i32, i32) {
    %c0_i32 = arith.constant 0 : i32
    %c0_i32_0 = arith.constant 0 : i32
    return %arg0, %c0_i32 : i32, i32
  }
  func.func @transform_5(%arg0: i32) -> (i32, i32) {
    %add3A = arith.constant 4 : i32
    %add3A_0 = arith.addi %arg0, %add3A : i32
    %c0_i32 = arith.constant 0 : i32
    %c0_i32_1 = arith.constant 0 : i32
    return %add3A_0, %c0_i32 : i32, i32
  }
  func.func @transform_6(%arg0: i32) -> (i32, i32) {
    %c0_i32 = arith.constant 0 : i32
    %c0_i32_0 = arith.constant 0 : i32
    return %arg0, %c0_i32 : i32, i32
  }
  func.func @transform_7(%arg0: i32) -> (i32, i32) {
    %c0_i32 = arith.constant 0 : i32
    %c0_i32_0 = arith.constant 0 : i32
    return %arg0, %c0_i32 : i32, i32
  }
  func.func @transform_8(%arg0: i32) -> (i32, i32) {
    %c0_i32 = arith.constant 0 : i32
    %c0_i32_0 = arith.constant 0 : i32
    return %arg0, %c0_i32 : i32, i32
  }
}

module attributes {stable_mosaic.version = 14 : i64} {
  func.func @_gate_body(%arg0: memref<2048x1024xf32, #tpu.memory_space<vmem>>, %arg1: memref<8x1024xf32, #tpu.memory_space<vmem>>, %arg2: memref<2048xi32, #tpu.memory_space<vmem>>, %arg3: memref<2048xi32, #tpu.memory_space<vmem>>, %arg4: memref<2048xf32, #tpu.memory_space<vmem>>, %arg5: memref<2048xf32, #tpu.memory_space<vmem>>, %arg6: memref<15xi32, #tpu.memory_space<vmem>>, %arg7: memref<8xi32, #tpu.memory_space<vmem>>, %arg8: memref<15xi32, #tpu.memory_space<vmem>>) attributes {dimension_semantics = [], scalar_prefetch = 0 : i64, scratch_operands = 0 : i64, tpu.core_type = #tpu.core_type<tc>} {
    %get3A = arith.constant 0 : index
    %get3A_0 = arith.constant 0 : index
    %get3A_1 = vector.load %arg0[%get3A, %get3A_0] : memref<2048x1024xf32, #tpu.memory_space<vmem>>, vector<2048x1024xf32>
    %get3A_2 = arith.constant 0 : index
    %get3A_3 = arith.constant 0 : index
    %get3A_4 = vector.load %arg1[%get3A_2, %get3A_3] : memref<8x1024xf32, #tpu.memory_space<vmem>>, vector<8x1024xf32>
    %dot_general3A = arith.constant dense<0.000000e+00> : vector<2048x8xf32>
    %dot_general3A_5 = tpu.matmul %get3A_1, %get3A_4, %dot_general3A {dimension_numbers = #tpu.dot_dimension_numbers<[1], [1], [0], [0], [0, 0, 1, 0], [], []>, transpose_lhs_hint = false} : vector<2048x1024xf32>, vector<8x1024xf32>, vector<2048x8xf32> -> vector<2048x8xf32>
    %reduce_max3A = arith.constant dense<0xFF800000> : vector<2048xf32>
    %reduce_max3A_6 = vector.multi_reduction <maximumf>, %dot_general3A_5, %reduce_max3A [1] : vector<2048x8xf32> to vector<2048xf32>
    %broadcast_in_dim3A = vector.shape_cast %reduce_max3A_6 : vector<2048xf32> to vector<2048x1xf32>
    %sub3A = vector.broadcast %broadcast_in_dim3A : vector<2048x1xf32> to vector<2048x8xf32>
    %sub3A_7 = arith.subf %dot_general3A_5, %sub3A : vector<2048x8xf32>
    %exp3A = math.exp %sub3A_7 : vector<2048x8xf32>
    %reduce_sum3A = arith.constant dense<0.000000e+00> : vector<2048xf32>
    %reduce_sum3A_8 = vector.multi_reduction <add>, %exp3A, %reduce_sum3A [1] : vector<2048x8xf32> to vector<2048xf32>
    %broadcast_in_dim3A_9 = vector.shape_cast %reduce_sum3A_8 : vector<2048xf32> to vector<2048x1xf32>
    %div3A = vector.broadcast %broadcast_in_dim3A_9 : vector<2048x1xf32> to vector<2048x8xf32>
    %div3A_10 = arith.divf %exp3A, %div3A : vector<2048x8xf32>
    %iota3A = tpu.iota {dimensions = array<i32: 1>} : vector<2048x8xi32>
    %argmax3A = tpu.reduce_index %div3A_10 {axis = 1 : i32, kind = #tpu.reduction_kind<arg_max>} : vector<2048x8xf32> -> vector<2048xi32>
    %reduce_max3A_11 = arith.constant dense<0xFF800000> : vector<2048xf32>
    %reduce_max3A_12 = vector.multi_reduction <maximumf>, %div3A_10, %reduce_max3A_11 [1] : vector<2048x8xf32> to vector<2048xf32>
    %broadcast_in_dim3A_13 = vector.shape_cast %argmax3A : vector<2048xi32> to vector<2048x1xi32>
    %eq3A = vector.broadcast %broadcast_in_dim3A_13 : vector<2048x1xi32> to vector<2048x8xi32>
    %eq3A_14 = arith.cmpi eq, %iota3A, %eq3A : vector<2048x8xi32>
    %jit3A = arith.constant 0xFF800000 : f32
    %broadcast_in_dim3A_15 = vector.broadcast %jit3A : f32 to vector<2048x8xf32>
    %select_n3A = arith.select %eq3A_14, %broadcast_in_dim3A_15, %div3A_10 : vector<2048x8xi1>, vector<2048x8xf32>
    %argmax3A_16 = tpu.reduce_index %select_n3A {axis = 1 : i32, kind = #tpu.reduction_kind<arg_max>} : vector<2048x8xf32> -> vector<2048xi32>
    %reduce_max3A_17 = arith.constant dense<0xFF800000> : vector<2048xf32>
    %reduce_max3A_18 = vector.multi_reduction <maximumf>, %select_n3A, %reduce_max3A_17 [1] : vector<2048x8xf32> to vector<2048xf32>
    %add3A = arith.addf %reduce_max3A_12, %reduce_max3A_18 : vector<2048xf32>
    %add3A_19 = arith.constant 9.99999968E-21 : f32
    %add3A_20 = vector.broadcast %add3A_19 : f32 to vector<2048xf32>
    %add3A_21 = arith.addf %add3A, %add3A_20 : vector<2048xf32>
    %div3A_22 = arith.divf %reduce_max3A_12, %add3A_21 : vector<2048xf32>
    %swap3A = arith.constant 0 : index
    %swap3A_23 = vector.load %arg4[%swap3A] : memref<2048xf32, #tpu.memory_space<vmem>>, vector<2048xf32>
    tpu.vector_store %arg4[%swap3A], %div3A_22 {strides = array<i32>} : memref<2048xf32, #tpu.memory_space<vmem>>, vector<2048xf32>,
    %div3A_24 = arith.divf %reduce_max3A_18, %add3A_21 : vector<2048xf32>
    %swap3A_25 = arith.constant 0 : index
    %swap3A_26 = vector.load %arg5[%swap3A_25] : memref<2048xf32, #tpu.memory_space<vmem>>, vector<2048xf32>
    tpu.vector_store %arg5[%swap3A_25], %div3A_24 {strides = array<i32>} : memref<2048xf32, #tpu.memory_space<vmem>>, vector<2048xf32>,
    %broadcast_in_dim3A_27 = vector.shape_cast %argmax3A : vector<2048xi32> to vector<2048x1xi32>
    %eq3A_28 = vector.broadcast %broadcast_in_dim3A_27 : vector<2048x1xi32> to vector<2048x8xi32>
    %eq3A_29 = arith.cmpi eq, %iota3A, %eq3A_28 : vector<2048x8xi32>
    %convert_element_type3A = arith.extui %eq3A_29 : vector<2048x8xi1> to vector<2048x8xi32>
    %broadcast_in_dim3A_30 = vector.shape_cast %argmax3A_16 : vector<2048xi32> to vector<2048x1xi32>
    %eq3A_31 = vector.broadcast %broadcast_in_dim3A_30 : vector<2048x1xi32> to vector<2048x8xi32>
    %eq3A_32 = arith.cmpi eq, %iota3A, %eq3A_31 : vector<2048x8xi32>
    %convert_element_type3A_33 = arith.extui %eq3A_32 : vector<2048x8xi1> to vector<2048x8xi32>
    %add3A_34 = arith.addi %convert_element_type3A, %convert_element_type3A_33 : vector<2048x8xi32>
    %jit3A_35 = arith.constant 0 : i32
    %pad3A = vector.broadcast %jit3A_35 : i32 to vector<1x8xi32>
    %pad3A_36 = tpu.concatenate %pad3A, %add3A_34 in 0 : vector<1x8xi32>, vector<2048x8xi32> -> vector<2049x8xi32>
    %slice3A = vector.extract_strided_slice %pad3A_36 {offsets = [0, 0], sizes = [2048, 8], strides = [1, 1]} : vector<2049x8xi32> to vector<2048x8xi32>
    %add3A_37 = arith.addi %add3A_34, %slice3A : vector<2048x8xi32>
    %jit3A_38 = arith.constant 0 : i32
    %pad3A_39 = vector.broadcast %jit3A_38 : i32 to vector<2x8xi32>
    %pad3A_40 = tpu.concatenate %pad3A_39, %add3A_37 in 0 : vector<2x8xi32>, vector<2048x8xi32> -> vector<2050x8xi32>
    %slice3A_41 = vector.extract_strided_slice %pad3A_40 {offsets = [0, 0], sizes = [2048, 8], strides = [1, 1]} : vector<2050x8xi32> to vector<2048x8xi32>
    %add3A_42 = arith.addi %add3A_37, %slice3A_41 : vector<2048x8xi32>
    %jit3A_43 = arith.constant 0 : i32
    %pad3A_44 = vector.broadcast %jit3A_43 : i32 to vector<4x8xi32>
    %pad3A_45 = tpu.concatenate %pad3A_44, %add3A_42 in 0 : vector<4x8xi32>, vector<2048x8xi32> -> vector<2052x8xi32>
    %slice3A_46 = vector.extract_strided_slice %pad3A_45 {offsets = [0, 0], sizes = [2048, 8], strides = [1, 1]} : vector<2052x8xi32> to vector<2048x8xi32>
    %add3A_47 = arith.addi %add3A_42, %slice3A_46 : vector<2048x8xi32>
    %jit3A_48 = arith.constant 0 : i32
    %pad3A_49 = vector.broadcast %jit3A_48 : i32 to vector<8x8xi32>
    %pad3A_50 = tpu.concatenate %pad3A_49, %add3A_47 in 0 : vector<8x8xi32>, vector<2048x8xi32> -> vector<2056x8xi32>
    %slice3A_51 = vector.extract_strided_slice %pad3A_50 {offsets = [0, 0], sizes = [2048, 8], strides = [1, 1]} : vector<2056x8xi32> to vector<2048x8xi32>
    %add3A_52 = arith.addi %add3A_47, %slice3A_51 : vector<2048x8xi32>
    %jit3A_53 = arith.constant 0 : i32
    %pad3A_54 = vector.broadcast %jit3A_53 : i32 to vector<16x8xi32>
    %pad3A_55 = tpu.concatenate %pad3A_54, %add3A_52 in 0 : vector<16x8xi32>, vector<2048x8xi32> -> vector<2064x8xi32>
    %slice3A_56 = vector.extract_strided_slice %pad3A_55 {offsets = [0, 0], sizes = [2048, 8], strides = [1, 1]} : vector<2064x8xi32> to vector<2048x8xi32>
    %add3A_57 = arith.addi %add3A_52, %slice3A_56 : vector<2048x8xi32>
    %jit3A_58 = arith.constant 0 : i32
    %pad3A_59 = vector.broadcast %jit3A_58 : i32 to vector<32x8xi32>
    %pad3A_60 = tpu.concatenate %pad3A_59, %add3A_57 in 0 : vector<32x8xi32>, vector<2048x8xi32> -> vector<2080x8xi32>
    %slice3A_61 = vector.extract_strided_slice %pad3A_60 {offsets = [0, 0], sizes = [2048, 8], strides = [1, 1]} : vector<2080x8xi32> to vector<2048x8xi32>
    %add3A_62 = arith.addi %add3A_57, %slice3A_61 : vector<2048x8xi32>
    %jit3A_63 = arith.constant 0 : i32
    %pad3A_64 = vector.broadcast %jit3A_63 : i32 to vector<64x8xi32>
    %pad3A_65 = tpu.concatenate %pad3A_64, %add3A_62 in 0 : vector<64x8xi32>, vector<2048x8xi32> -> vector<2112x8xi32>
    %slice3A_66 = vector.extract_strided_slice %pad3A_65 {offsets = [0, 0], sizes = [2048, 8], strides = [1, 1]} : vector<2112x8xi32> to vector<2048x8xi32>
    %add3A_67 = arith.addi %add3A_62, %slice3A_66 : vector<2048x8xi32>
    %jit3A_68 = arith.constant 0 : i32
    %pad3A_69 = vector.broadcast %jit3A_68 : i32 to vector<128x8xi32>
    %pad3A_70 = tpu.concatenate %pad3A_69, %add3A_67 in 0 : vector<128x8xi32>, vector<2048x8xi32> -> vector<2176x8xi32>
    %slice3A_71 = vector.extract_strided_slice %pad3A_70 {offsets = [0, 0], sizes = [2048, 8], strides = [1, 1]} : vector<2176x8xi32> to vector<2048x8xi32>
    %add3A_72 = arith.addi %add3A_67, %slice3A_71 : vector<2048x8xi32>
    %jit3A_73 = arith.constant 0 : i32
    %pad3A_74 = vector.broadcast %jit3A_73 : i32 to vector<256x8xi32>
    %pad3A_75 = tpu.concatenate %pad3A_74, %add3A_72 in 0 : vector<256x8xi32>, vector<2048x8xi32> -> vector<2304x8xi32>
    %slice3A_76 = vector.extract_strided_slice %pad3A_75 {offsets = [0, 0], sizes = [2048, 8], strides = [1, 1]} : vector<2304x8xi32> to vector<2048x8xi32>
    %add3A_77 = arith.addi %add3A_72, %slice3A_76 : vector<2048x8xi32>
    %jit3A_78 = arith.constant 0 : i32
    %pad3A_79 = vector.broadcast %jit3A_78 : i32 to vector<512x8xi32>
    %pad3A_80 = tpu.concatenate %pad3A_79, %add3A_77 in 0 : vector<512x8xi32>, vector<2048x8xi32> -> vector<2560x8xi32>
    %slice3A_81 = vector.extract_strided_slice %pad3A_80 {offsets = [0, 0], sizes = [2048, 8], strides = [1, 1]} : vector<2560x8xi32> to vector<2048x8xi32>
    %add3A_82 = arith.addi %add3A_77, %slice3A_81 : vector<2048x8xi32>
    %jit3A_83 = arith.constant 0 : i32
    %pad3A_84 = vector.broadcast %jit3A_83 : i32 to vector<1024x8xi32>
    %pad3A_85 = tpu.concatenate %pad3A_84, %add3A_82 in 0 : vector<1024x8xi32>, vector<2048x8xi32> -> vector<3072x8xi32>
    %slice3A_86 = vector.extract_strided_slice %pad3A_85 {offsets = [0, 0], sizes = [2048, 8], strides = [1, 1]} : vector<3072x8xi32> to vector<2048x8xi32>
    %add3A_87 = arith.addi %add3A_82, %slice3A_86 : vector<2048x8xi32>
    %sub3A_88 = arith.subi %add3A_87, %add3A_34 : vector<2048x8xi32>
    %slice3A_89 = vector.extract_strided_slice %add3A_87 {offsets = [2047, 0], sizes = [1, 8], strides = [1, 1]} : vector<2048x8xi32> to vector<1x8xi32>
    %add3A_90 = arith.constant 512 : i32
    %add3A_91 = vector.broadcast %add3A_90 : i32 to vector<1x8xi32>
    %add3A_92 = arith.addi %slice3A_89, %add3A_91 : vector<1x8xi32>
    %sub3A_93 = arith.constant 1 : i32
    %sub3A_94 = vector.broadcast %sub3A_93 : i32 to vector<1x8xi32>
    %sub3A_95 = arith.subi %add3A_92, %sub3A_94 : vector<1x8xi32>
    %jit3A_96 = arith.constant 512 : i32
    %div3A_97 = vector.broadcast %jit3A_96 : i32 to vector<1x8xi32>
    %div3A_98 = arith.divsi %sub3A_95, %div3A_97 : vector<1x8xi32>
    %sign3A = arith.constant 0 : i32
    %sign3A_99 = vector.broadcast %sign3A : i32 to vector<1x8xi32>
    %sign3A_100 = arith.cmpi sgt, %sub3A_95, %sign3A_99 : vector<1x8xi32>
    %sign3A_101 = arith.extui %sign3A_100 : vector<1x8xi1> to vector<1x8xi32>
    %sign3A_102 = arith.constant 0 : i32
    %sign3A_103 = vector.broadcast %sign3A_102 : i32 to vector<1x8xi32>
    %sign3A_104 = arith.cmpi slt, %sub3A_95, %sign3A_103 : vector<1x8xi32>
    %sign3A_105 = arith.extui %sign3A_104 : vector<1x8xi1> to vector<1x8xi32>
    %sign3A_106 = arith.subi %sign3A_101, %sign3A_105 : vector<1x8xi32>
    %sign3A_107 = arith.constant 0 : i32
    %sign3A_108 = arith.cmpi sgt, %jit3A_96, %sign3A_107 : i32
    %sign3A_109 = arith.extui %sign3A_108 : i1 to i32
    %sign3A_110 = arith.constant 0 : i32
    %sign3A_111 = arith.cmpi slt, %jit3A_96, %sign3A_110 : i32
    %sign3A_112 = arith.extui %sign3A_111 : i1 to i32
    %sign3A_113 = arith.subi %sign3A_109, %sign3A_112 : i32
    %ne3A = vector.broadcast %sign3A_113 : i32 to vector<1x8xi32>
    %ne3A_114 = arith.cmpi ne, %sign3A_106, %ne3A : vector<1x8xi32>
    %rem3A = vector.broadcast %jit3A_96 : i32 to vector<1x8xi32>
    %rem3A_115 = arith.remsi %sub3A_95, %rem3A : vector<1x8xi32>
    %ne3A_116 = arith.constant 0 : i32
    %ne3A_117 = vector.broadcast %ne3A_116 : i32 to vector<1x8xi32>
    %ne3A_118 = arith.cmpi ne, %rem3A_115, %ne3A_117 : vector<1x8xi32>
    %and3A = arith.andi %ne3A_114, %ne3A_118 : vector<1x8xi1>
    %sub3A_119 = arith.constant 1 : i32
    %sub3A_120 = vector.broadcast %sub3A_119 : i32 to vector<1x8xi32>
    %sub3A_121 = arith.subi %div3A_98, %sub3A_120 : vector<1x8xi32>
    %select_n3A_122 = arith.select %and3A, %sub3A_121, %div3A_98 : vector<1x8xi1>, vector<1x8xi32>
    %jit3A_123 = arith.constant 0 : i32
    %pad3A_124 = vector.broadcast %jit3A_123 : i32 to vector<1x1xi32>
    %pad3A_125 = tpu.concatenate %pad3A_124, %select_n3A_122 in 1 : vector<1x1xi32>, vector<1x8xi32> -> vector<1x9xi32>
    %slice3A_126 = vector.extract_strided_slice %pad3A_125 {offsets = [0, 0], sizes = [1, 8], strides = [1, 1]} : vector<1x9xi32> to vector<1x8xi32>
    %add3A_127 = arith.addi %select_n3A_122, %slice3A_126 : vector<1x8xi32>
    %jit3A_128 = arith.constant 0 : i32
    %pad3A_129 = vector.broadcast %jit3A_128 : i32 to vector<1x2xi32>
    %pad3A_130 = tpu.concatenate %pad3A_129, %add3A_127 in 1 : vector<1x2xi32>, vector<1x8xi32> -> vector<1x10xi32>
    %slice3A_131 = vector.extract_strided_slice %pad3A_130 {offsets = [0, 0], sizes = [1, 8], strides = [1, 1]} : vector<1x10xi32> to vector<1x8xi32>
    %add3A_132 = arith.addi %add3A_127, %slice3A_131 : vector<1x8xi32>
    %jit3A_133 = arith.constant 0 : i32
    %pad3A_134 = vector.broadcast %jit3A_133 : i32 to vector<1x4xi32>
    %pad3A_135 = tpu.concatenate %pad3A_134, %add3A_132 in 1 : vector<1x4xi32>, vector<1x8xi32> -> vector<1x12xi32>
    %slice3A_136 = vector.extract_strided_slice %pad3A_135 {offsets = [0, 0], sizes = [1, 8], strides = [1, 1]} : vector<1x12xi32> to vector<1x8xi32>
    %add3A_137 = arith.addi %add3A_132, %slice3A_136 : vector<1x8xi32>
    %sub3A_138 = arith.subi %add3A_137, %select_n3A_122 : vector<1x8xi32>
    %mul3A = arith.constant 512 : i32
    %mul3A_139 = vector.broadcast %mul3A : i32 to vector<1x8xi32>
    %mul3A_140 = arith.muli %sub3A_138, %mul3A_139 : vector<1x8xi32>
    %add3A_141 = vector.broadcast %mul3A_140 : vector<1x8xi32> to vector<2048x8xi32>
    %add3A_142 = arith.addi %add3A_141, %sub3A_88 : vector<2048x8xi32>
    %mul3A_143 = arith.muli %convert_element_type3A, %add3A_142 : vector<2048x8xi32>
    %reduce_sum3A_144 = arith.constant dense<0> : vector<2048xi32>
    %reduce_sum3A_145 = vector.multi_reduction <add>, %mul3A_143, %reduce_sum3A_144 [1] : vector<2048x8xi32> to vector<2048xi32>
    %swap3A_146 = arith.constant 0 : index
    %swap3A_147 = vector.load %arg2[%swap3A_146] : memref<2048xi32, #tpu.memory_space<vmem>>, vector<2048xi32>
    tpu.vector_store %arg2[%swap3A_146], %reduce_sum3A_145 {strides = array<i32>} : memref<2048xi32, #tpu.memory_space<vmem>>, vector<2048xi32>,
    %add3A_148 = arith.addi %add3A_142, %convert_element_type3A : vector<2048x8xi32>
    %mul3A_149 = arith.muli %convert_element_type3A_33, %add3A_148 : vector<2048x8xi32>
    %reduce_sum3A_150 = arith.constant dense<0> : vector<2048xi32>
    %reduce_sum3A_151 = vector.multi_reduction <add>, %mul3A_149, %reduce_sum3A_150 [1] : vector<2048x8xi32> to vector<2048xi32>
    %swap3A_152 = arith.constant 0 : index
    %swap3A_153 = vector.load %arg3[%swap3A_152] : memref<2048xi32, #tpu.memory_space<vmem>>, vector<2048xi32>
    tpu.vector_store %arg3[%swap3A_152], %reduce_sum3A_151 {strides = array<i32>} : memref<2048xi32, #tpu.memory_space<vmem>>, vector<2048xi32>,
    %reshape3A = vector.shape_cast %add3A_137 : vector<1x8xi32> to vector<8xi32>
    %swap3A_154 = arith.constant 0 : index
    %swap3A_155 = vector.load %arg7[%swap3A_154] : memref<8xi32, #tpu.memory_space<vmem>>, vector<8xi32>
    tpu.vector_store %arg7[%swap3A_154], %reshape3A {strides = array<i32>} : memref<8xi32, #tpu.memory_space<vmem>>, vector<8xi32>,
    %iota3A_156 = tpu.iota {dimensions = array<i32: 0>} : vector<15x8xi32>
    %le3A = vector.broadcast %add3A_137 : vector<1x8xi32> to vector<15x8xi32>
    %le3A_157 = arith.cmpi sle, %le3A, %iota3A_156 : vector<15x8xi32>
    %convert_element_type3A_158 = arith.extui %le3A_157 : vector<15x8xi1> to vector<15x8xi32>
    %reduce_sum3A_159 = arith.constant dense<0> : vector<15xi32>
    %reduce_sum3A_160 = vector.multi_reduction <add>, %convert_element_type3A_158, %reduce_sum3A_159 [1] : vector<15x8xi32> to vector<15xi32>
    %jit3A_161 = arith.constant 0 : i32
    %jit3A_162 = arith.constant 7 : i32
    %max3A = vector.broadcast %jit3A_161 : i32 to vector<15xi32>
    %max3A_163 = arith.maxsi %max3A, %reduce_sum3A_160 : vector<15xi32>
    %min3A = vector.broadcast %jit3A_162 : i32 to vector<15xi32>
    %min3A_164 = arith.minsi %min3A, %max3A_163 : vector<15xi32>
    %swap3A_165 = arith.constant 0 : index
    %swap3A_166 = vector.load %arg6[%swap3A_165] : memref<15xi32, #tpu.memory_space<vmem>>, vector<15xi32>
    tpu.vector_store %arg6[%swap3A_165], %min3A_164 {strides = array<i32>} : memref<15xi32, #tpu.memory_space<vmem>>, vector<15xi32>,
    %iota3A_167 = tpu.iota {dimensions = array<i32: 1>} : vector<1x8xi32>
    %eq3A_168 = arith.constant 7 : i32
    %eq3A_169 = vector.broadcast %eq3A_168 : i32 to vector<1x8xi32>
    %eq3A_170 = arith.cmpi eq, %iota3A_167, %eq3A_169 : vector<1x8xi32>
    %jit3A_171 = arith.constant 0 : i32
    %broadcast_in_dim3A_172 = vector.broadcast %jit3A_171 : i32 to vector<1x8xi32>
    %select_n3A_173 = arith.select %eq3A_170, %add3A_137, %broadcast_in_dim3A_172 : vector<1x8xi1>, vector<1x8xi32>
    %reduce_sum3A_174 = vector.shape_cast %select_n3A_173 : vector<1x8xi32> to vector<1x1x8xi32>
    %reduce_sum3A_175 = arith.constant dense<0> : vector<1xi32>
    %reduce_sum3A_176 = vector.multi_reduction <add>, %reduce_sum3A_174, %reduce_sum3A_175 [1, 2] : vector<1x1x8xi32> to vector<1xi32>
    %reduce_sum3A_177 = vector.shape_cast %reduce_sum3A_176 : vector<1xi32> to vector<1x1x1xi32>
    %reduce_sum3A_178 = vector.extract %reduce_sum3A_177[0, 0, 0] : i32 from vector<1x1x1xi32>
    %iota3A_179 = tpu.iota {dimensions = array<i32: 0>} : vector<15x8xi32>
    %slice3A_180 = vector.extract_strided_slice %iota3A_179 {offsets = [0, 0], sizes = [15, 1], strides = [1, 1]} : vector<15x8xi32> to vector<15x1xi32>
    %squeeze3A = vector.shape_cast %slice3A_180 : vector<15x1xi32> to vector<15xi32>
    %sub3A_181 = arith.constant 1 : i32
    %sub3A_182 = arith.subi %reduce_sum3A_178, %sub3A_181 : i32
    %min3A_183 = vector.broadcast %sub3A_182 : i32 to vector<15xi32>
    %min3A_184 = arith.minsi %squeeze3A, %min3A_183 : vector<15xi32>
    %swap3A_185 = arith.constant 0 : index
    %swap3A_186 = vector.load %arg8[%swap3A_185] : memref<15xi32, #tpu.memory_space<vmem>>, vector<15xi32>
    tpu.vector_store %arg8[%swap3A_185], %min3A_184 {strides = array<i32>} : memref<15xi32, #tpu.memory_space<vmem>>, vector<15xi32>,
    return
  }
}

module attributes {stable_mosaic.version = 14 : i64} {
  func.func @_routed_body(%arg0: i32, %arg1: memref<8xi32, #tpu.memory_space<smem>>, %arg2: memref<15xi32, #tpu.memory_space<smem>>, %arg3: memref<15xi32, #tpu.memory_space<smem>>, %arg4: memref<512x1024xf32, #tpu.memory_space<vmem>>, %arg5: memref<1x1024x512xf32, #tpu.memory_space<vmem>>, %arg6: memref<1x1024x512xf32, #tpu.memory_space<vmem>>, %arg7: memref<1x512x1024xf32, #tpu.memory_space<vmem>>, %arg8: memref<512x1024xf32, #tpu.memory_space<vmem>>) attributes {dimension_semantics = [#tpu.dimension_semantics<arbitrary>], iteration_bounds = array<i64: 15>, scalar_prefetch = 3 : i64, scratch_operands = 0 : i64, tpu.core_type = #tpu.core_type<tc>, window_params = [{transform_indices = @transform_0, window_bounds = array<i64: 512, 1024>}, {transform_indices = @transform_1, window_bounds = array<i64: 1, 1024, 512>}, {transform_indices = @transform_2, window_bounds = array<i64: 1, 1024, 512>}, {transform_indices = @transform_3, window_bounds = array<i64: 1, 512, 1024>}, {transform_indices = @transform_4, window_bounds = array<i64: 512, 1024>}]} {
    %get3A = arith.constant 7 : index
    %get3A_0 = memref.load %arg1[%get3A] : memref<8xi32, #tpu.memory_space<smem>>
    %lt3A = arith.cmpi slt, %arg0, %get3A_0 : i32
    %convert_element_type3A = arith.extui %lt3A : i1 to i32
    %cond3A = arith.constant 0 : i32
    %cond3A_1 = arith.cmpi ne, %convert_element_type3A, %cond3A : i32
    scf.if %cond3A_1 {
      %get3A_2 = arith.constant 0 : index
      %get3A_3 = arith.constant 0 : index
      %get3A_4 = vector.load %arg4[%get3A_2, %get3A_3] : memref<512x1024xf32, #tpu.memory_space<vmem>>, vector<512x1024xf32>
      %get3A_5 = arith.constant 0 : index
      %get3A_6 = arith.constant 0 : index
      %get3A_7 = arith.constant 0 : index
      %get3A_8 = vector.load %arg5[%get3A_5, %get3A_6, %get3A_7] : memref<1x1024x512xf32, #tpu.memory_space<vmem>>, vector<1x1024x512xf32>
      %get3A_9 = vector.shape_cast %get3A_8 : vector<1x1024x512xf32> to vector<1024x512xf32>
      %dot_general3A = arith.constant dense<0.000000e+00> : vector<512x512xf32>
      %dot_general3A_10 = tpu.matmul %get3A_4, %get3A_9, %dot_general3A {dimension_numbers = #tpu.dot_dimension_numbers<[1], [0], [0], [1], [0, 0, 1, 1], [], []>, transpose_lhs_hint = false} : vector<512x1024xf32>, vector<1024x512xf32>, vector<512x512xf32> -> vector<512x512xf32>
      %get3A_11 = arith.constant 0 : index
      %get3A_12 = arith.constant 0 : index
      %get3A_13 = arith.constant 0 : index
      %get3A_14 = vector.load %arg6[%get3A_11, %get3A_12, %get3A_13] : memref<1x1024x512xf32, #tpu.memory_space<vmem>>, vector<1x1024x512xf32>
      %get3A_15 = vector.shape_cast %get3A_14 : vector<1x1024x512xf32> to vector<1024x512xf32>
      %dot_general3A_16 = arith.constant dense<0.000000e+00> : vector<512x512xf32>
      %dot_general3A_17 = tpu.matmul %get3A_4, %get3A_15, %dot_general3A_16 {dimension_numbers = #tpu.dot_dimension_numbers<[1], [0], [0], [1], [0, 0, 1, 1], [], []>, transpose_lhs_hint = false} : vector<512x1024xf32>, vector<1024x512xf32>, vector<512x512xf32> -> vector<512x512xf32>
      %logistic3A = arith.negf %dot_general3A_10 : vector<512x512xf32>
      %logistic3A_18 = math.exp %logistic3A : vector<512x512xf32>
      %logistic3A_19 = arith.constant 1.000000e+00 : f32
      %logistic3A_20 = vector.broadcast %logistic3A_19 : f32 to vector<512x512xf32>
      %logistic3A_21 = arith.addf %logistic3A_20, %logistic3A_18 : vector<512x512xf32>
      %logistic3A_22 = arith.divf %logistic3A_20, %logistic3A_21 : vector<512x512xf32>
      %mul3A = arith.mulf %dot_general3A_10, %logistic3A_22 : vector<512x512xf32>
      %mul3A_23 = arith.mulf %mul3A, %dot_general3A_17 : vector<512x512xf32>
      %get3A_24 = arith.constant 0 : index
      %get3A_25 = arith.constant 0 : index
      %get3A_26 = arith.constant 0 : index
      %get3A_27 = vector.load %arg7[%get3A_24, %get3A_25, %get3A_26] : memref<1x512x1024xf32, #tpu.memory_space<vmem>>, vector<1x512x1024xf32>
      %get3A_28 = vector.shape_cast %get3A_27 : vector<1x512x1024xf32> to vector<512x1024xf32>
      %dot_general3A_29 = arith.constant dense<0.000000e+00> : vector<512x1024xf32>
      %dot_general3A_30 = tpu.matmul %mul3A_23, %get3A_28, %dot_general3A_29 {dimension_numbers = #tpu.dot_dimension_numbers<[1], [0], [0], [1], [0, 0, 1, 1], [], []>, transpose_lhs_hint = false} : vector<512x512xf32>, vector<512x1024xf32>, vector<512x1024xf32> -> vector<512x1024xf32>
      %swap3A = arith.constant 0 : index
      %swap3A_31 = arith.constant 0 : index
      %swap3A_32 = vector.load %arg8[%swap3A, %swap3A_31] : memref<512x1024xf32, #tpu.memory_space<vmem>>, vector<512x1024xf32>
      tpu.vector_store %arg8[%swap3A, %swap3A_31], %dot_general3A_30 {strides = array<i32>} : memref<512x1024xf32, #tpu.memory_space<vmem>>, vector<512x1024xf32>,
    } else {
    }
    return
  }
  func.func @transform_0(%arg0: i32, %arg1: memref<8xi32, #tpu.memory_space<smem>>, %arg2: memref<15xi32, #tpu.memory_space<smem>>, %arg3: memref<15xi32, #tpu.memory_space<smem>>) -> (i32, i32) {
    %get3A = arith.index_cast %arg0 : i32 to index
    %get3A_0 = memref.load %arg3[%get3A] : memref<15xi32, #tpu.memory_space<smem>>
    %c0_i32 = arith.constant 0 : i32
    %c0_i32_1 = arith.constant 0 : i32
    return %get3A_0, %c0_i32 : i32, i32
  }
  func.func @transform_1(%arg0: i32, %arg1: memref<8xi32, #tpu.memory_space<smem>>, %arg2: memref<15xi32, #tpu.memory_space<smem>>, %arg3: memref<15xi32, #tpu.memory_space<smem>>) -> (i32, i32, i32) {
    %get3A = arith.index_cast %arg0 : i32 to index
    %get3A_0 = memref.load %arg2[%get3A] : memref<15xi32, #tpu.memory_space<smem>>
    %c0_i32 = arith.constant 0 : i32
    %c0_i32_1 = arith.constant 0 : i32
    %c0_i32_2 = arith.constant 0 : i32
    return %get3A_0, %c0_i32, %c0_i32_1 : i32, i32, i32
  }
  func.func @transform_2(%arg0: i32, %arg1: memref<8xi32, #tpu.memory_space<smem>>, %arg2: memref<15xi32, #tpu.memory_space<smem>>, %arg3: memref<15xi32, #tpu.memory_space<smem>>) -> (i32, i32, i32) {
    %get3A = arith.index_cast %arg0 : i32 to index
    %get3A_0 = memref.load %arg2[%get3A] : memref<15xi32, #tpu.memory_space<smem>>
    %c0_i32 = arith.constant 0 : i32
    %c0_i32_1 = arith.constant 0 : i32
    %c0_i32_2 = arith.constant 0 : i32
    return %get3A_0, %c0_i32, %c0_i32_1 : i32, i32, i32
  }
  func.func @transform_3(%arg0: i32, %arg1: memref<8xi32, #tpu.memory_space<smem>>, %arg2: memref<15xi32, #tpu.memory_space<smem>>, %arg3: memref<15xi32, #tpu.memory_space<smem>>) -> (i32, i32, i32) {
    %get3A = arith.index_cast %arg0 : i32 to index
    %get3A_0 = memref.load %arg2[%get3A] : memref<15xi32, #tpu.memory_space<smem>>
    %c0_i32 = arith.constant 0 : i32
    %c0_i32_1 = arith.constant 0 : i32
    %c0_i32_2 = arith.constant 0 : i32
    return %get3A_0, %c0_i32, %c0_i32_1 : i32, i32, i32
  }
  func.func @transform_4(%arg0: i32, %arg1: memref<8xi32, #tpu.memory_space<smem>>, %arg2: memref<15xi32, #tpu.memory_space<smem>>, %arg3: memref<15xi32, #tpu.memory_space<smem>>) -> (i32, i32) {
    %get3A = arith.index_cast %arg0 : i32 to index
    %get3A_0 = memref.load %arg3[%get3A] : memref<15xi32, #tpu.memory_space<smem>>
    %c0_i32 = arith.constant 0 : i32
    %c0_i32_1 = arith.constant 0 : i32
    return %get3A_0, %c0_i32 : i32, i32
  }
}

</mosaic_0001>

<sc_bundles>
// kernel: kernel.10.cloned.1.call-start
scs
__scs_entry_jumppad:
0x0: {  	(pc) =	sbr.rel $0x88, $3  }
0x1: {  	(tag) =	ssettag $0x0;
	lr =	simm.s32 $0x1  }
0x2: {  	[smem:$0x3F99] =	sst lr;
	_ =	strace $0xD0000000  }
0x3: {  	_ = 	snop  }
0x4: {  	_ = 	snop  }
0x5: {  	_ = 	snop  }
0x6: {  	_ = 	snop  }
0x7: {  	_ = 	snop  }
__scs_overlays_trampoline_lowered:
0x8: {  	[smem:$0x3FA8] =	sst s0  }
0x9: {  	[smem:$0x3FA9] =	sst s1  }
0xa: {  	[smem:$0x3FAA] =	sst s2  }
0xb: {  	[smem:$0x3FAB] =	sst s3  }
0xc: {  	[smem:$0x3FAC] =	sst s4  }
0xd: {  	[smem:$0x3FAD] =	sst s5  }
0xe: {  	[smem:$0x3FAE] =	sst s6  }
0xf: {  	[smem:$0x3FAF] =	sst s7  }
0x10: {  	[smem:$0x3FB0] =	sst s8  }
0x11: {  	[smem:$0x3FB1] =	sst s9;
	s0 =	simm.s32 @!p0 $0x0  }
0x12: {  	s1 =	sld [smem:$0x3F97];
	s0 =	simm.s32 @p0 $0x1  }
0x13: {  	[smem:$0x3FB2] =	sst s0;
	s0 =	simm.s32 @!p1 $0x0  }
0x14: {  	s2 =	sld [smem:$0x3F96];
	s0 =	simm.s32 @p1 $0x1  }
0x15: {  	[smem:$0x3FB3] =	sst s0;
	s0 =	simm.s32 @!p2 $0x0  }
0x16: {  	s3 =	sld [smem:$0x3FDB];
	s0 =	simm.s32 @p2 $0x1  }
0x17: {  	s4 =	simm.s32 $0x1BF5;
	[smem:$0x3FB5] =	sst s0  }
0x18: {  	s0 =	sld [smem:$0x3F98];
	_ =	swait.ge [sflag:s4], $0x0  }
0x19: {  	s7 =	sld [smem:$0x3F99]  }
0x1a: {  	s8 =	sadd.s32 $0xFFFFE003, lr  }
0x1b: {  	s9 =	sadd.s32 $0xFFFFFEF7, lr;
	s5 =	simm.s32 $0xFFFFFFFF;
	p2 =	slt.u32 s8, $0xFFFFF086  }
0x1c: {  	p1 =	slt.u32 s9, $0xF7A;
	s5 =	simm.s32 @!p2 $0x0  }
0x1d: {  	s5 =	simm.s32 @p1 $0x1;
	p0 =	seq.s32 s7, s2  }
0x1e: {  	s7 =	smul.u32 @!p0 $0xF7A, s2;
	p2 =	seq.s32 @!p0 s5, $0x0  }
0x1f: {  	s9 =	smul.u32 $0xF7A, s1;
	s8 =	simm.s32 @!p0 $0x1BF5;
	p2 =	por !p2, p0  }
0x20: {  	[sflag:s8] =	ssyncset.s32 @!p0 $0xFFFFF086;
	s6 =	sadd.s32 @!p0 s3, s7;
	s7 =	simm.s32 @!p0 $0x108  }
0x21: {  	s3 =	sadd.s32 s3, s9;
	s6 =	sadd.s32 @!p0 $0x88, s6;
	s7 =	simm.s32 @p2 $0x1082  }
0x22: {  	[simem:s7], [sflag:s8] =	dma.local @!p0 [hbm:s6], $0xF7A  }
0x23: {  	s9 =	sor.u32 $0xD0000000, s2;
	s6 =	simm.s32 $0x108;
	_ =	swait.ge @!p0 [sflag:s8], $0x0  }
0x24: {  	s3 =	sadd.s32 $0x88, s3;
	s6 =	simm.s32 @!p1 $0x1082;
	[sflag:s4] =	ssyncset.s32 $0xFFFFF086  }
0x25: {  	[simem:s6], [sflag:s4] =	dma.local [hbm:s3], $0xF7A  }
0x26: {  	[smem:$0x3F99] =	sst s1;
	(tag) =	ssettag s2;
	_ =	strace s9  }
0x27: {  	s1 =	sld [smem:$0x3FA9]  }
0x28: {  	s2 =	sld [smem:$0x3FAA]  }
0x29: {  	s4 =	sld [smem:$0x3FAC]  }
0x2a: {  	p0 =	seq.s32 s5, $0x0;
	s5 =	sld [smem:$0x3FAD]  }
0x2b: {  	s6 =	sld [smem:$0x3FAE]  }
0x2c: {  	s7 =	sld [smem:$0x3FAF]  }
0x2d: {  	s3 =	simm.s32 $0x108;
	s8 =	sld [smem:$0x3FB0]  }
0x2e: {  	s3 =	simm.s32 @!p0 $0x1082;
	s9 =	sld [smem:$0x3FB1]  }
0x2f: {  	lr =	sadd.s32 s0, s3;
	s0 =	sld [smem:$0x3FA8]  }
0x30: {  	s3 =	sld [smem:$0x3FAB]  }
0x31: {  	[smem:$0x3FB4] =	sst s10  }
0x32: {  	s10 =	sld [smem:$0x3FB2];
	_ =	sdelay $0x3  }
0x33: {  	p0 =	seq.s32 s10, $0x1;
	s10 =	sld [smem:$0x3FB4];
	_ =	sdelay $0x3  }
0x34: {  	[smem:$0x3FB4] =	sst s10  }
0x35: {  	s10 =	sld [smem:$0x3FB3];
	_ =	sdelay $0x3  }
0x36: {  	p1 =	seq.s32 s10, $0x1;
	s10 =	sld [smem:$0x3FB4];
	_ =	sdelay $0x3  }
0x37: {  	[smem:$0x3FB4] =	sst s10  }
0x38: {  	s10 =	sld [smem:$0x3FB5]  }
0x39: {  	_ = 	snop;
	(pc) =	sbr.ind lr, $3  }
0x3a: {  	_ = 	snop  }
0x3b: {  	_ = 	snop  }
0x3c: {  	p2 =	seq.s32 s10, $0x1;
	s10 =	sld [smem:$0x3FB4]  }
0x3d: {  	_ =	shalt  }
0x3e: {  	_ =	shalt  }
0x3f: {  	_ =	shalt  }
0x40: {  	_ =	shalt  }
0x41: {  	_ =	shalt  }
0x42: {  	_ =	shalt  }
0x43: {  	_ =	shalt  }
0x44: {  	_ =	shalt  }
0x45: {  	_ =	shalt  }
0x46: {  	_ =	shalt  }
0x47: {  	_ =	shalt  }
0x48: {  	_ =	shalt  }
0x49: {  	_ =	shalt  }
0x4a: {  	_ =	shalt  }
0x4b: {  	_ =	shalt  }
0x4c: {  	_ =	shalt  }
0x4d: {  	_ =	shalt  }
0x4e: {  	_ =	shalt  }
0x4f: {  	_ =	shalt  }
0x50: {  	_ =	shalt  }
0x51: {  	_ =	shalt  }
0x52: {  	_ =	shalt  }
0x53: {  	_ =	shalt  }
0x54: {  	_ =	shalt  }
0x55: {  	_ =	shalt  }
0x56: {  	_ =	shalt  }
0x57: {  	_ =	shalt  }
0x58: {  	_ =	shalt  }
0x59: {  	_ =	shalt  }
0x5a: {  	_ =	shalt  }
0x5b: {  	_ =	shalt  }
0x5c: {  	_ =	shalt  }
0x5d: {  	_ =	shalt  }
0x5e: {  	_ =	shalt  }
0x5f: {  	_ =	shalt  }
0x60: {  	_ =	shalt  }
0x61: {  	_ =	shalt  }
0x62: {  	_ =	shalt  }
0x63: {  	_ =	shalt  }
0x64: {  	_ =	shalt  }
0x65: {  	_ =	shalt  }
0x66: {  	_ =	shalt  }
0x67: {  	_ =	shalt  }
0x68: {  	_ =	shalt  }
0x69: {  	_ =	shalt  }
0x6a: {  	_ =	shalt  }
0x6b: {  	_ =	shalt  }
0x6c: {  	_ =	shalt  }
0x6d: {  	_ =	shalt  }
0x6e: {  	_ =	shalt  }
0x6f: {  	_ =	shalt  }
0x70: {  	_ =	shalt  }
0x71: {  	_ =	shalt  }
0x72: {  	_ =	shalt  }
0x73: {  	_ =	shalt  }
0x74: {  	_ =	shalt  }
0x75: {  	_ =	shalt  }
0x76: {  	_ =	shalt  }
0x77: {  	_ =	shalt  }
0x78: {  	_ =	shalt  }
0x79: {  	_ =	shalt  }
0x7a: {  	_ =	shalt  }
0x7b: {  	_ =	shalt  }
0x7c: {  	_ =	shalt  }
0x7d: {  	_ =	shalt  }
0x7e: {  	_ =	shalt  }
0x7f: {  	_ =	shalt  }
0x80: {  	_ =	shalt  }
0x81: {  	_ =	shalt  }
0x82: {  	_ =	shalt  }
0x83: {  	_ =	shalt  }
0x84: {  	_ =	shalt  }
0x85: {  	_ =	shalt  }
0x86: {  	_ =	shalt  }
0x87: {  	_ =	shalt  }
.Lfunc_end0:
.L_simem_size_0:
called_computation.1_lowered:
.L_overlay_start_0:
0x88: {  	s2 =	sld [smem:$0x3FD9]  }
0x89: {  	s3 =	sld [smem:$0x3FFE];
	_ =	sdelay $0x1  }
0x8a: {  	s1 =	srdreg.scid  }
0x8b: {  	s0 =	sand.u32 $0x1, s1  }
0x8c: {  	s17 =	sshll.u32 s0, $0xA;
	s2 =	sadd.s32 s3, s2  }
0x8d: {  	s2 =	sadd.s32 s2, s17  }
0x8e: {  	[smem:$0x3FC0] =	sst s2  }
0x8f: {  	_ = 	snop  }
0x90: {  	s2 =	sld [smem:$0x3FD0];
	(tm) =	ssettm $0x1  }
0x91: {  	s18 =	sld [smem:$0x3FFB];
	_ =	sdelay $0x3  }
0x92: {  	_ =	strace s18  }
0x93: {  	s3 =	sld [smem:$0x3FFC];
	_ =	sdelay $0x3  }
0x94: {  	_ =	strace s3  }
0x95: {  	s3 =	sld [smem:$0x3FFD];
	_ =	sdelay $0x3  }
0x96: {  	_ =	strace s3  }
0x97: {  	_ =	strace $0x8FFFFFFF  }
0x98: {  	s19 =	sld [smem:$0x3FDB];
	_ =	sdelay $0x1  }
0x99: {  	s4 =	simm.s32 $_scs_section_size  }
0x9a: {  	s5 =	simm.s32 $_size__tile_overlayer_lowered;
	s6 =	simm.s32 $_tile_overlayer_lowered  }
0x9b: {  	s22 =	simm.s32 $0x1BFF;
	s21 =	sshll.u32 s6, $0x1;
	s3 =	sadd.s32 s4, s19  }
0x9c: {  	s7 =	simm.s32 $0x0;
	s20 =	sshll.u32 s5, $0x1;
	s5 =	sadd.s32 s21, s3  }
0x9d: {  	[timem:s7], [sflag:s22] =	dma.local [hbm:s5], s20  }
0x9e: {  	_ =	swait.ge [sflag:s22], s20  }
0x9f: {  	s4 =	ssub.s32 $0x0, s20;
	[sflag:s22] =	ssyncset.done $0x0  }
0xa0: {  	[sflag:s22] =	ssyncadd.s32 s4;
	_ =	sdelay $0x1  }
0xa1: {  	s23 =	simm.s32 $0x1B8B  }
0xa2: {  	_ =	swait.ge [sflag:s23], $0x1  }
0xa3: {  	[sflag:s23] =	ssyncset.done $0x0  }
0xa4: {  	s25 =	simm.s32 $0x1B8E;
	s24 =	sld [smem:$0x3FFE];
	[sflag:s23] =	ssyncadd.s32 $0xFFFFFFFF  }
0xa5: {  	s26 =	simm.s32 $execute0_lowered;
	[smem:$0x3FD2] =	sst s25  }
0xa6: {  	s5 =	sshll.u32 s26, $0x1;
	_ =	strace $0x80000049;
	[dreg:$0x1] =	wrdreg $0xFFFFFFFF  }
0xa7: {  	s28 =	simm.s32 $_size_execute0_lowered;
	s3 =	sadd.s32 s3, s5;
	[dreg:$0x0] =	wrdreg $0x0  }
0xa8: {  	s5 =	sshll.u32 s28, $0x1;
	[dreg:$0x2] =	wrdreg s3  }
0xa9: {  	[dreg:$0x3] =	wrdreg s5  }
0xaa: {  	[dreg:$0x4] =	wrdreg $0xC0  }
0xab: {  	_ =	task [dreg:s7], $0x5FFFF  }
0xac: {  	[dreg:$0x1] =	wrdreg $0xFFFFFFFF  }
0xad: {  	[dreg:$0x0] =	wrdreg $0x60  }
0xae: {  	[dreg:$0x2] =	wrdreg s24  }
0xaf: {  	[dreg:$0x3] =	wrdreg s2  }
0xb0: {  	[dreg:$0x4] =	wrdreg $0x9  }
0xb1: {  	_ =	task.clear_ibuf [dreg:s7], $0x5FFFF;
	_ =	strace $0x90000049  }
0xb2: {  	s29 =	simm.s32 $0x9;
	_ =	strace $0x8000004B  }
0xb3: {  	_ =	swait.ge [sflag:s29], $0x1  }
0xb4: {  	[sflag:s29] =	ssyncadd.s32 $0xFFFFFFFF  }
0xb5: {  	_ =	strace $0x9000004B  }
0xb6: {  	_ =	sfence  }
0xb7: {  	s30 =	sld [smem:$0x0];
	_ =	sdelay $0x2  }
0xb8: {  	s31 =	sshll.u32 s1, $0xD;
	s1 =	sshrl.u32 s1, $0x2  }
0xb9: {  	s3 =	sand.u32 $0x4000, s31;
	s1 =	sadd.s32 s1, s30  }
0xba: {  	s0 =	sor.u32 s3, s0;
	s1 =	sshll.u32 s1, $0x11  }
0xbb: {  	s0 =	sor.u32 s1, s0  }
0xbc: {  	s0 =	sadd.s32 $0x8F2B, s0  }
0xbd: {  	[sflag:s0] =	ssyncadd.remote.s32 $0x1  }
0xbe: {  	_ =	sfence.sel $0xFFFF  }
0xbf: {  	[dreg:$0x0] =	wrdreg $0xFFFFFFFF;
	(pc) =	sbr.abs _section_cstart, $3  }
0xc0: {  	[dreg:$0x1] =	wrdreg $0xFFFFFFFF  }
0xc1: {  	_ =	task.clear_ibuf [dreg:s7], $0x2FFFF;
	_ =	strace $0x9FFFFFFF  }
0xc2: {  	(tm) =	ssettm $0x7FFFFFFF  }
0xc3: {  	_ =	shalt  }
tec
execute0_lowered:
.L_overlay_start_1:
0x0: {  	(tag) =	ssettag $0x1  }
0x1: {  	s0 =	rddreg [dreg:$0x0]  }
0x2: {  	s1 =	rddreg [dreg:$0x1];
	s3 =	srdreg.scid  }
0x3: {  	s2 =	simm.s32 $0x0;
	s5 =	stileid.u32;
	s18 =	simm.s32 $0x1  }
0x4: {  	s20 =	simm.s32 $0x880;
	s21 =	simm.s32 $0x1080;
	s28 =	simm.s32 $0x4080  }
0x5: {  	s29 =	simm.s32 $0x4880;
	s30 =	simm.s32 $0x5080;
	s31 =	simm.s32 $0x5880  }
0x6: {  	s10 =	simm.s32 $0x7080;
	s11 =	simm.s32 $0x7880;
	s12 =	simm.s32 $0x8080  }
0x7: {  	s13 =	simm.s32 $0x8880;
	s14 =	simm.s32 $0x9080;
	s15 =	simm.s32 $0x9880  }
0x8: {  	s16 =	simm.s32 $0xA080;
	s17 =	simm.s32 $0xA880;
	s4 =	sand.u32 $0x1, s3  }
0x9: {  	[smem:$0x7FF] =	sst s2;
	s22 =	sshll.u32 s5, $0x7;
	s3 =	sadd.s32 $0xF2A00, s0  }
0xa: {  	s23 =	sshll.u32 s4, $0x6;
	_ =	strace $0x8000004A;
	s4 =	ssub.s32 $0x2, s4  }
0xb: {  	s5 =	sor.u32 s23, s22;
	s8 =	sshrl.u32 s4, $0x1;
	s22 =	simm.s32 $0x1880  }
0xc: {  	s23 =	simm.s32 $0x2080;
	s6 =	sshrl.u32 s5, $0x3;
	s5 =	sshll.u32 s5, $0x7  }
0xd: {  	s8 =	ssub.s32 s4, s8;
	s4 =	sadd.s32 $0xF2B00, s0;
	s7 =	sadd.s32 s6, s0  }
0xe: {  	s9 =	sadd.s32 s5, s0;
	s1 =	sadd.s32 s1, s6;
	s5 =	sadd.s32 $0xF2C00, s0  }
0xf: {  	s6 =	sadd.s32 $0xF2D00, s0;
	[dreg:$0x3] =	wrdreg s1;
	s24 =	sadd.s32 $0x2A00, s9  }
0x10: {  	s0 =	simm.s32 $0x80;
	s25 =	sadd.s32 $0x2800, s7;
	[dreg:$0x4] =	wrdreg s24  }
0x11: {  	v2 =	vlaneseq.u32;
	s26 =	sadd.s32 $0x42A00, s9;
	s7 =	smax.u32 s8, $0x1;
	[dreg:$0x5] =	wrdreg s25  }
0x12: {  	vm0 =	vmmov $0xffff;
	v1 =	vshrl.u32 v2, $0x3;
	s8 =	simm.s32 $0x2;
	s9 =	simm.s32 $0xB080;
	[dreg:$0x6] =	wrdreg s26  }
0x13: {  	v0 =	vand.u32 $0x7, v2;
	v2 =	vor.u32 $0x8, v2;
	v1 =	vmul.u32 $0x8, v1;
	s24 =	simm.s32 $0x2880;
	s25 =	simm.s32 $0x3080;
	s26 =	simm.s32 $0x3880  }
.LBB2_1:
0x14: {  	s19 =	rddreg [dreg:$0x3]  }
0x15: {  	[tilespmem:s2], [sflag:$0x2] =	stream.linear.gather [hbm4b:s19+s2], $0x40, $0x38;
	[tilespmem:$0x10080] =	vst v63  }
0x16: {  	_ =	swait.ge [sflag:s8], $0x40  }
0x17: {  	[sflag:s8] =	ssyncset.done $0x0  }
0x18: {  	[sflag:s8] =	ssyncadd.s32 $0xFFFFFFC0  }
0x19: {  	v3 =	vld [tilespmem:$0x0];
	_ =	sdelay $0x4  }
0x1a: {  	v4 =	vshll.u32 v3, $0x3  }
0x1b: {  	v3 =	vand.u32 $0x7, v3;
	v4 =	vand.u32 $0xFFFFFFC0, v4  }
0x1c: {  	v3 =	vor.u32 v3, v4  }
0x1d: {  	v4 =	vperm.xlane v3, v0;
	_ =	sdelay $0x1  }
0x1e: {  	v4 =	vadd.s32 v1, v4;
	_ =	sdelay $0x4  }
0x1f: {  	[tilespmem:s0], [sflag:$0x1] =	stream.indirect_vreg.gather [hbm4b:s3+s2], $0x80, v4, vm0, $0xb8;
	[tilespmem:$0x10080] =	vst v63  }
0x20: {  	v3 =	vperm.xlane v3, v2  }
0x21: {  	[tilespmem:s20], [sflag:$0x1] =	stream.indirect_vreg.gather [hbm4b:s4+s2], $0x80, v4, vm0, $0xb8;
	[tilespmem:$0x10080] =	vst v63  }
0x22: {  	v3 =	vadd.s32 v1, v3  }
0x23: {  	[tilespmem:s21], [sflag:$0x1] =	stream.indirect_vreg.gather [hbm4b:s5+s2], $0x80, v4, vm0, $0xb8;
	[tilespmem:$0x10080] =	vst v63  }
0x24: {  	_ = 	snop  }
0x25: {  	[tilespmem:s22], [sflag:$0x1] =	stream.indirect_vreg.gather [hbm4b:s6+s2], $0x80, v4, vm0, $0xb8;
	[tilespmem:$0x10080] =	vst v63  }
0x26: {  	_ = 	snop  }
0x27: {  	[tilespmem:s23], [sflag:$0x1] =	stream.indirect_vreg.gather [hbm4b:s3+s2], $0x80, v3, vm0, $0xb8;
	[tilespmem:$0x10080] =	vst v63  }
0x28: {  	_ = 	snop  }
0x29: {  	[tilespmem:s24], [sflag:$0x1] =	stream.indirect_vreg.gather [hbm4b:s4+s2], $0x80, v3, vm0, $0xb8;
	[tilespmem:$0x10080] =	vst v63  }
0x2a: {  	_ = 	snop  }
0x2b: {  	[tilespmem:s25], [sflag:$0x1] =	stream.indirect_vreg.gather [hbm4b:s5+s2], $0x80, v3, vm0, $0xb8;
	[tilespmem:$0x10080] =	vst v63  }
0x2c: {  	_ = 	snop  }
0x2d: {  	[tilespmem:s26], [sflag:$0x1] =	stream.indirect_vreg.gather [hbm4b:s6+s2], $0x80, v3, vm0, $0xb8;
	[tilespmem:$0x10080] =	vst v63  }
0x2e: {  	v3 =	vld [tilespmem:$0x10];
	_ =	sdelay $0x4  }
0x2f: {  	v57 =	vshll.u32 v3, $0x3  }
0x30: {  	v3 =	vand.u32 $0x7, v3;
	v4 =	vand.u32 $0xFFFFFFC0, v57  }
0x31: {  	v3 =	vor.u32 v3, v4  }
0x32: {  	v4 =	vperm.xlane v3, v0;
	_ =	sdelay $0x1  }
0x33: {  	v4 =	vadd.s32 v1, v4;
	_ =	sdelay $0x4  }
0x34: {  	[tilespmem:s28], [sflag:$0x1] =	stream.indirect_vreg.gather [hbm4b:s3+s2], $0x80, v4, vm0, $0xb8;
	[tilespmem:$0x10080] =	vst v63  }
0x35: {  	v3 =	vperm.xlane v3, v2  }
0x36: {  	[tilespmem:s29], [sflag:$0x1] =	stream.indirect_vreg.gather [hbm4b:s4+s2], $0x80, v4, vm0, $0xb8;
	[tilespmem:$0x10080] =	vst v63  }
0x37: {  	v3 =	vadd.s32 v1, v3  }
0x38: {  	[tilespmem:s30], [sflag:$0x1] =	stream.indirect_vreg.gather [hbm4b:s5+s2], $0x80, v4, vm0, $0xb8;
	[tilespmem:$0x10080] =	vst v63  }
0x39: {  	_ = 	snop  }
0x3a: {  	[tilespmem:s31], [sflag:$0x1] =	stream.indirect_vreg.gather [hbm4b:s6+s2], $0x80, v4, vm0, $0xb8;
	[tilespmem:$0x10080] =	vst v63  }
0x3b: {  	s1 =	simm.s32 $0x6080  }
0x3c: {  	[tilespmem:s1], [sflag:$0x1] =	stream.indirect_vreg.gather [hbm4b:s3+s2], $0x80, v3, vm0, $0xb8;
	[tilespmem:$0x10080] =	vst v63  }
0x3d: {  	s1 =	simm.s32 $0x6880  }
0x3e: {  	[tilespmem:s1], [sflag:$0x1] =	stream.indirect_vreg.gather [hbm4b:s4+s2], $0x80, v3, vm0, $0xb8;
	[tilespmem:$0x10080] =	vst v63  }
0x3f: {  	_ = 	snop  }
0x40: {  	[tilespmem:s10], [sflag:$0x1] =	stream.indirect_vreg.gather [hbm4b:s5+s2], $0x80, v3, vm0, $0xb8;
	[tilespmem:$0x10080] =	vst v63  }
0x41: {  	_ = 	snop  }
0x42: {  	[tilespmem:s11], [sflag:$0x1] =	stream.indirect_vreg.gather [hbm4b:s6+s2], $0x80, v3, vm0, $0xb8;
	[tilespmem:$0x10080] =	vst v63  }
0x43: {  	v3 =	vld [tilespmem:$0x20];
	_ =	sdelay $0x4  }
0x44: {  	v58 =	vshll.u32 v3, $0x3  }
0x45: {  	v3 =	vand.u32 $0x7, v3;
	v4 =	vand.u32 $0xFFFFFFC0, v58  }
0x46: {  	v3 =	vor.u32 v3, v4  }
0x47: {  	v4 =	vperm.xlane v3, v0;
	_ =	sdelay $0x1  }
0x48: {  	v4 =	vadd.s32 v1, v4;
	_ =	sdelay $0x4  }
0x49: {  	[tilespmem:s12], [sflag:$0x1] =	stream.indirect_vreg.gather [hbm4b:s3+s2], $0x80, v4, vm0, $0xb8;
	[tilespmem:$0x10080] =	vst v63  }
0x4a: {  	v3 =	vperm.xlane v3, v2  }
0x4b: {  	[tilespmem:s13], [sflag:$0x1] =	stream.indirect_vreg.gather [hbm4b:s4+s2], $0x80, v4, vm0, $0xb8;
	[tilespmem:$0x10080] =	vst v63  }
0x4c: {  	v3 =	vadd.s32 v1, v3  }
0x4d: {  	[tilespmem:s14], [sflag:$0x1] =	stream.indirect_vreg.gather [hbm4b:s5+s2], $0x80, v4, vm0, $0xb8;
	[tilespmem:$0x10080] =	vst v63  }
0x4e: {  	_ = 	snop  }
0x4f: {  	[tilespmem:s15], [sflag:$0x1] =	stream.indirect_vreg.gather [hbm4b:s6+s2], $0x80, v4, vm0, $0xb8;
	[tilespmem:$0x10080] =	vst v63  }
0x50: {  	_ = 	snop  }
0x51: {  	[tilespmem:s16], [sflag:$0x1] =	stream.indirect_vreg.gather [hbm4b:s3+s2], $0x80, v3, vm0, $0xb8;
	[tilespmem:$0x10080] =	vst v63  }
0x52: {  	_ = 	snop  }
0x53: {  	[tilespmem:s17], [sflag:$0x1] =	stream.indirect_vreg.gather [hbm4b:s4+s2], $0x80, v3, vm0, $0xb8;
	[tilespmem:$0x10080] =	vst v63  }
0x54: {  	_ = 	snop  }
0x55: {  	[tilespmem:s9], [sflag:$0x1] =	stream.indirect_vreg.gather [hbm4b:s5+s2], $0x80, v3, vm0, $0xb8;
	[tilespmem:$0x10080] =	vst v63  }
0x56: {  	s19 =	simm.s32 $0xB880  }
0x57: {  	[tilespmem:s19], [sflag:$0x1] =	stream.indirect_vreg.gather [hbm4b:s6+s2], $0x80, v3, vm0, $0xb8;
	[tilespmem:$0x10080] =	vst v63  }
0x58: {  	v3 =	vld [tilespmem:$0x30];
	_ =	sdelay $0x4  }
0x59: {  	v59 =	vshll.u32 v3, $0x3  }
0x5a: {  	v3 =	vand.u32 $0x7, v3;
	v4 =	vand.u32 $0xFFFFFFC0, v59  }
0x5b: {  	v3 =	vor.u32 v3, v4  }
0x5c: {  	v4 =	vperm.xlane v3, v0;
	_ =	sdelay $0x1  }
0x5d: {  	v4 =	vadd.s32 v1, v4;
	_ =	sdelay $0x3  }
0x5e: {  	s19 =	simm.s32 $0xC080  }
0x5f: {  	[tilespmem:s19], [sflag:$0x1] =	stream.indirect_vreg.gather [hbm4b:s3+s2], $0x80, v4, vm0, $0xb8;
	[tilespmem:$0x10080] =	vst v63  }
0x60: {  	v3 =	vperm.xlane v3, v2;
	s19 =	simm.s32 $0xC880  }
0x61: {  	[tilespmem:s19], [sflag:$0x1] =	stream.indirect_vreg.gather [hbm4b:s4+s2], $0x80, v4, vm0, $0xb8;
	[tilespmem:$0x10080] =	vst v63  }
0x62: {  	v3 =	vadd.s32 v1, v3;
	s19 =	simm.s32 $0xD080  }
0x63: {  	[tilespmem:s19], [sflag:$0x1] =	stream.indirect_vreg.gather [hbm4b:s5+s2], $0x80, v4, vm0, $0xb8;
	[tilespmem:$0x10080] =	vst v63  }
0x64: {  	s19 =	simm.s32 $0xD880  }
0x65: {  	[tilespmem:s19], [sflag:$0x1] =	stream.indirect_vreg.gather [hbm4b:s6+s2], $0x80, v4, vm0, $0xb8;
	[tilespmem:$0x10080] =	vst v63  }
0x66: {  	s19 =	simm.s32 $0xE080  }
0x67: {  	[tilespmem:s19], [sflag:$0x1] =	stream.indirect_vreg.gather [hbm4b:s3+s2], $0x80, v3, vm0, $0xb8;
	[tilespmem:$0x10080] =	vst v63  }
0x68: {  	s19 =	simm.s32 $0xE880  }
0x69: {  	[tilespmem:s19], [sflag:$0x1] =	stream.indirect_vreg.gather [hbm4b:s4+s2], $0x80, v3, vm0, $0xb8;
	[tilespmem:$0x10080] =	vst v63  }
0x6a: {  	s19 =	simm.s32 $0xF080  }
0x6b: {  	[tilespmem:s19], [sflag:$0x1] =	stream.indirect_vreg.gather [hbm4b:s5+s2], $0x80, v3, vm0, $0xb8;
	[tilespmem:$0x10080] =	vst v63  }
0x6c: {  	s19 =	simm.s32 $0xF880  }
0x6d: {  	[tilespmem:s19], [sflag:$0x1] =	stream.indirect_vreg.gather [hbm4b:s6+s2], $0x80, v3, vm0, $0xb8;
	[tilespmem:$0x10080] =	vst v63  }
0x6e: {  	_ =	swait.ge [sflag:s18], $0x10000  }
0x6f: {  	[sflag:s18] =	ssyncset.done $0x0  }
0x70: {  	s19 =	rddreg [dreg:$0x4];
	[sflag:s18] =	ssyncadd.s32 $0xFFFF0000  }
0x71: {  	[hbm4b:s19+s2] =	stream.linear.scatter [tilespmem:s0], [sflag:$0x2], $0x10000, $0x38;
	[tilespmem:$0x10080] =	vst v63  }
0x72: {  	_ =	swait.ge [sflag:s8], $0x10000  }
0x73: {  	[sflag:s8] =	ssyncset.done $0x0  }
0x74: {  	s19 =	rddreg [dreg:$0x5];
	[sflag:s8] =	ssyncadd.s32 $0xFFFF0000  }
0x75: {  	[tilespmem:s2], [sflag:$0x2] =	stream.linear.gather [hbm4b:s19+s2], $0x40, $0x38;
	[tilespmem:$0x10080] =	vst v63  }
0x76: {  	_ =	swait.ge [sflag:s8], $0x40  }
0x77: {  	[sflag:s8] =	ssyncset.done $0x0  }
0x78: {  	[sflag:s8] =	ssyncadd.s32 $0xFFFFFFC0  }
0x79: {  	v3 =	vld [tilespmem:$0x0];
	_ =	sdelay $0x4  }
0x7a: {  	v60 =	vshll.u32 v3, $0x3  }
0x7b: {  	v3 =	vand.u32 $0x7, v3;
	v4 =	vand.u32 $0xFFFFFFC0, v60  }
0x7c: {  	v3 =	vor.u32 v3, v4  }
0x7d: {  	v4 =	vperm.xlane v3, v0;
	_ =	sdelay $0x1  }
0x7e: {  	v4 =	vadd.s32 v1, v4;
	_ =	sdelay $0x4  }
0x7f: {  	[tilespmem:s0], [sflag:$0x1] =	stream.indirect_vreg.gather [hbm4b:s3+s2], $0x80, v4, vm0, $0xb8;
	[tilespmem:$0x10080] =	vst v63  }
0x80: {  	v3 =	vperm.xlane v3, v2  }
0x81: {  	[tilespmem:s20], [sflag:$0x1] =	stream.indirect_vreg.gather [hbm4b:s4+s2], $0x80, v4, vm0, $0xb8;
	[tilespmem:$0x10080] =	vst v63  }
0x82: {  	v3 =	vadd.s32 v1, v3  }
0x83: {  	[tilespmem:s21], [sflag:$0x1] =	stream.indirect_vreg.gather [hbm4b:s5+s2], $0x80, v4, vm0, $0xb8;
	[tilespmem:$0x10080] =	vst v63  }
0x84: {  	_ = 	snop  }
0x85: {  	[tilespmem:s22], [sflag:$0x1] =	stream.indirect_vreg.gather [hbm4b:s6+s2], $0x80, v4, vm0, $0xb8;
	[tilespmem:$0x10080] =	vst v63  }
0x86: {  	_ = 	snop  }
0x87: {  	[tilespmem:s23], [sflag:$0x1] =	stream.indirect_vreg.gather [hbm4b:s3+s2], $0x80, v3, vm0, $0xb8;
	[tilespmem:$0x10080] =	vst v63  }
0x88: {  	_ = 	snop  }
0x89: {  	[tilespmem:s24], [sflag:$0x1] =	stream.indirect_vreg.gather [hbm4b:s4+s2], $0x80, v3, vm0, $0xb8;
	[tilespmem:$0x10080] =	vst v63  }
0x8a: {  	_ = 	snop  }
0x8b: {  	[tilespmem:s25], [sflag:$0x1] =	stream.indirect_vreg.gather [hbm4b:s5+s2], $0x80, v3, vm0, $0xb8;
	[tilespmem:$0x10080] =	vst v63  }
0x8c: {  	_ = 	snop  }
0x8d: {  	[tilespmem:s26], [sflag:$0x1] =	stream.indirect_vreg.gather [hbm4b:s6+s2], $0x80, v3, vm0, $0xb8;
	[tilespmem:$0x10080] =	vst v63  }
0x8e: {  	v3 =	vld [tilespmem:$0x10];
	_ =	sdelay $0x4  }
0x8f: {  	v61 =	vshll.u32 v3, $0x3  }
0x90: {  	v3 =	vand.u32 $0x7, v3;
	v4 =	vand.u32 $0xFFFFFFC0, v61  }
0x91: {  	v3 =	vor.u32 v3, v4  }
0x92: {  	v4 =	vperm.xlane v3, v0;
	_ =	sdelay $0x1  }
0x93: {  	v4 =	vadd.s32 v1, v4;
	_ =	sdelay $0x4  }
0x94: {  	[tilespmem:s28], [sflag:$0x1] =	stream.indirect_vreg.gather [hbm4b:s3+s2], $0x80, v4, vm0, $0xb8;
	[tilespmem:$0x10080] =	vst v63  }
0x95: {  	v3 =	vperm.xlane v3, v2  }
0x96: {  	[tilespmem:s29], [sflag:$0x1] =	stream.indirect_vreg.gather [hbm4b:s4+s2], $0x80, v4, vm0, $0xb8;
	[tilespmem:$0x10080] =	vst v63  }
0x97: {  	v3 =	vadd.s32 v1, v3  }
0x98: {  	[tilespmem:s30], [sflag:$0x1] =	stream.indirect_vreg.gather [hbm4b:s5+s2], $0x80, v4, vm0, $0xb8;
	[tilespmem:$0x10080] =	vst v63  }
0x99: {  	_ = 	snop  }
0x9a: {  	[tilespmem:s31], [sflag:$0x1] =	stream.indirect_vreg.gather [hbm4b:s6+s2], $0x80, v4, vm0, $0xb8;
	[tilespmem:$0x10080] =	vst v63  }
0x9b: {  	s19 =	simm.s32 $0x6080  }
0x9c: {  	[tilespmem:s19], [sflag:$0x1] =	stream.indirect_vreg.gather [hbm4b:s3+s2], $0x80, v3, vm0, $0xb8;
	[tilespmem:$0x10080] =	vst v63  }
0x9d: {  	_ = 	snop  }
0x9e: {  	[tilespmem:s1], [sflag:$0x1] =	stream.indirect_vreg.gather [hbm4b:s4+s2], $0x80, v3, vm0, $0xb8;
	[tilespmem:$0x10080] =	vst v63  }
0x9f: {  	_ = 	snop  }
0xa0: {  	[tilespmem:s10], [sflag:$0x1] =	stream.indirect_vreg.gather [hbm4b:s5+s2], $0x80, v3, vm0, $0xb8;
	[tilespmem:$0x10080] =	vst v63  }
0xa1: {  	_ = 	snop  }
0xa2: {  	[tilespmem:s11], [sflag:$0x1] =	stream.indirect_vreg.gather [hbm4b:s6+s2], $0x80, v3, vm0, $0xb8;
	[tilespmem:$0x10080] =	vst v63  }
0xa3: {  	v3 =	vld [tilespmem:$0x20];
	_ =	sdelay $0x4  }
0xa4: {  	v62 =	vshll.u32 v3, $0x3  }
0xa5: {  	v3 =	vand.u32 $0x7, v3;
	v4 =	vand.u32 $0xFFFFFFC0, v62  }
0xa6: {  	v3 =	vor.u32 v3, v4  }
0xa7: {  	v4 =	vperm.xlane v3, v0;
	_ =	sdelay $0x1  }
0xa8: {  	v4 =	vadd.s32 v1, v4;
	_ =	sdelay $0x4  }
0xa9: {  	[tilespmem:s12], [sflag:$0x1] =	stream.indirect_vreg.gather [hbm4b:s3+s2], $0x80, v4, vm0, $0xb8;
	[tilespmem:$0x10080] =	vst v63  }
0xaa: {  	v3 =	vperm.xlane v3, v2  }
0xab: {  	[tilespmem:s13], [sflag:$0x1] =	stream.indirect_vreg.gather [hbm4b:s4+s2], $0x80, v4, vm0, $0xb8;
	[tilespmem:$0x10080] =	vst v63  }
0xac: {  	v3 =	vadd.s32 v1, v3  }
0xad: {  	[tilespmem:s14], [sflag:$0x1] =	stream.indirect_vreg.gather [hbm4b:s5+s2], $0x80, v4, vm0, $0xb8;
	[tilespmem:$0x10080] =	vst v63  }
0xae: {  	_ = 	snop  }
0xaf: {  	[tilespmem:s15], [sflag:$0x1] =	stream.indirect_vreg.gather [hbm4b:s6+s2], $0x80, v4, vm0, $0xb8;
	[tilespmem:$0x10080] =	vst v63  }
0xb0: {  	_ = 	snop  }
0xb1: {  	[tilespmem:s16], [sflag:$0x1] =	stream.indirect_vreg.gather [hbm4b:s3+s2], $0x80, v3, vm0, $0xb8;
	[tilespmem:$0x10080] =	vst v63  }
0xb2: {  	_ = 	snop  }
0xb3: {  	[tilespmem:s17], [sflag:$0x1] =	stream.indirect_vreg.gather [hbm4b:s4+s2], $0x80, v3, vm0, $0xb8;
	[tilespmem:$0x10080] =	vst v63  }
0xb4: {  	_ = 	snop  }
0xb5: {  	[tilespmem:s9], [sflag:$0x1] =	stream.indirect_vreg.gather [hbm4b:s5+s2], $0x80, v3, vm0, $0xb8;
	[tilespmem:$0x10080] =	vst v63  }
0xb6: {  	s19 =	simm.s32 $0xB880  }
0xb7: {  	[tilespmem:s19], [sflag:$0x1] =	stream.indirect_vreg.gather [hbm4b:s6+s2], $0x80, v3, vm0, $0xb8;
	[tilespmem:$0x10080] =	vst v63  }
0xb8: {  	v3 =	vld [tilespmem:$0x30];
	_ =	sdelay $0x4  }
0xb9: {  	v63 =	vshll.u32 v3, $0x3  }
0xba: {  	v3 =	vand.u32 $0x7, v3;
	v4 =	vand.u32 $0xFFFFFFC0, v63  }
0xbb: {  	v3 =	vor.u32 v3, v4  }
0xbc: {  	v4 =	vperm.xlane v3, v0;
	_ =	sdelay $0x1  }
0xbd: {  	v4 =	vadd.s32 v1, v4;
	_ =	sdelay $0x3  }
0xbe: {  	s19 =	simm.s32 $0xC080  }
0xbf: {  	[tilespmem:s19], [sflag:$0x1] =	stream.indirect_vreg.gather [hbm4b:s3+s2], $0x80, v4, vm0, $0xb8;
	[tilespmem:$0x10080] =	vst v63  }
0xc0: {  	v3 =	vperm.xlane v3, v2;
	s19 =	simm.s32 $0xC880  }
0xc1: {  	[tilespmem:s19], [sflag:$0x1] =	stream.indirect_vreg.gather [hbm4b:s4+s2], $0x80, v4, vm0, $0xb8;
	[tilespmem:$0x10080] =	vst v63  }
0xc2: {  	v3 =	vadd.s32 v1, v3;
	s19 =	simm.s32 $0xD080  }
0xc3: {  	[tilespmem:s19], [sflag:$0x1] =	stream.indirect_vreg.gather [hbm4b:s5+s2], $0x80, v4, vm0, $0xb8;
	[tilespmem:$0x10080] =	vst v63  }
0xc4: {  	s19 =	simm.s32 $0xD880  }
0xc5: {  	[tilespmem:s19], [sflag:$0x1] =	stream.indirect_vreg.gather [hbm4b:s6+s2], $0x80, v4, vm0, $0xb8;
	[tilespmem:$0x10080] =	vst v63  }
0xc6: {  	s19 =	simm.s32 $0xE080  }
0xc7: {  	[tilespmem:s19], [sflag:$0x1] =	stream.indirect_vreg.gather [hbm4b:s3+s2], $0x80, v3, vm0, $0xb8;
	[tilespmem:$0x10080] =	vst v63  }
0xc8: {  	s19 =	simm.s32 $0xE880  }
0xc9: {  	[tilespmem:s19], [sflag:$0x1] =	stream.indirect_vreg.gather [hbm4b:s4+s2], $0x80, v3, vm0, $0xb8;
	[tilespmem:$0x10080] =	vst v63  }
0xca: {  	s19 =	simm.s32 $0xF080  }
0xcb: {  	[tilespmem:s19], [sflag:$0x1] =	stream.indirect_vreg.gather [hbm4b:s5+s2], $0x80, v3, vm0, $0xb8;
	[tilespmem:$0x10080] =	vst v63  }
0xcc: {  	s19 =	simm.s32 $0xF880  }
0xcd: {  	[tilespmem:s19], [sflag:$0x1] =	stream.indirect_vreg.gather [hbm4b:s6+s2], $0x80, v3, vm0, $0xb8;
	[tilespmem:$0x10080] =	vst v63  }
0xce: {  	_ =	swait.ge [sflag:s18], $0x10000  }
0xcf: {  	p0 =	sne.s32 s7, $0x1;
	[sflag:s18] =	ssyncset.done $0x0  }
.Ltmp0:
0xd0: {  	s1 =	rddreg [dreg:$0x6];
	[sflag:s18] =	ssyncadd.s32 $0xFFFF0000;
	(pc) =	sbr.rel @p0 .LBB2_1-.Ltmp0, $4  }
0xd1: {  	[hbm4b:s1+s2] =	stream.linear.scatter [tilespmem:s0], [sflag:$0x2], $0x10000, $0x38;
	[tilespmem:$0x10080] =	vst v63  }
0xd2: {  	_ =	swait.ge [sflag:s8], $0x10000  }
0xd3: {  	[sflag:s8] =	ssyncset.done $0x0  }
0xd4: {  	s7 =	sadd.s32 $0xFFFFFFFF, s7;
	[sflag:s8] =	ssyncadd.s32 $0xFFFF0000  }
0xd5: {  	_ =	sfence.sel $0x180000  }
0xd6: {  	[bflag:$0x0] =	sbarrier.arrive $0xFFFF  }
0xd7: {  	_ =	strace $0x9000004A  }
0xd8: {  	s0 =	stileid.u32;
	[bflag:$0x2] =	sbarrier.arrive $0xFFFF  }
0xd9: {  	p0 =	sne.s32 s0, $0x0;
	s0 =	rddreg [dreg:$0x2]  }
0xda: {  	s0 =	sadd.s32 @!p0 $0x100000, s0  }
0xdb: {  	[sflag:s0] =	ssyncadd.tile.s32 @!p0 $0x1;
	_ =	shalt  }
.Lfunc_end2:
_tile_overlayer_lowered:
.L_overlay_start_2:
0xdc: {  	(tag) =	ssettag $0x2  }
0xdd: {  	s0 =	rddreg [dreg:$0x0];
	s2 =	stileid.u32  }
0xde: {  	s1 =	rddreg [dreg:$0x1];
	p0 =	sne.s32 s2, $0x0  }
0xdf: {  	s3 =	rddreg [dreg:$0x2];
	[bflag:$0x3] =	sbarrier.arrive $0xFFFF;
	s2 =	simm.s32 @!p0 $0x1C02  }
0xe0: {  	[timem:s3], [sflag:s2] =	dma.local @!p0 [hbm:s0], s1  }
0xe1: {  	s0 =	simm.s32 @!p0 $0x2  }
0xe2: {  	_ =	swait.ge @!p0 [sflag:s0], s1  }
0xe3: {  	s1 =	ssub.s32 @!p0 $0x0, s1;
	[sflag:s0] =	ssyncset.done @!p0 $0x0  }
0xe4: {  	[sflag:s0] =	ssyncadd.s32 @!p0 s1  }
0xe5: {  	[bflag:$0x3] =	sbarrier.arrive $0xFFFF  }
0xe6: {  	_ =	shalt  }

// kernel: kernel.7.cloned.1.call-start
scs
__scs_entry_jumppad:
0x0: {  	(pc) =	sbr.rel $0x88, $3  }
0x1: {  	(tag) =	ssettag $0x0;
	lr =	simm.s32 $0x1  }
0x2: {  	[smem:$0x3F99] =	sst lr;
	_ =	strace $0xD0000000  }
0x3: {  	_ = 	snop  }
0x4: {  	_ = 	snop  }
0x5: {  	_ = 	snop  }
0x6: {  	_ = 	snop  }
0x7: {  	_ = 	snop  }
__scs_overlays_trampoline_lowered:
0x8: {  	[smem:$0x3FA8] =	sst s0  }
0x9: {  	[smem:$0x3FA9] =	sst s1  }
0xa: {  	[smem:$0x3FAA] =	sst s2  }
0xb: {  	[smem:$0x3FAB] =	sst s3  }
0xc: {  	[smem:$0x3FAC] =	sst s4  }
0xd: {  	[smem:$0x3FAD] =	sst s5  }
0xe: {  	[smem:$0x3FAE] =	sst s6  }
0xf: {  	[smem:$0x3FAF] =	sst s7  }
0x10: {  	[smem:$0x3FB0] =	sst s8  }
0x11: {  	[smem:$0x3FB1] =	sst s9;
	s0 =	simm.s32 @!p0 $0x0  }
0x12: {  	s1 =	sld [smem:$0x3F97];
	s0 =	simm.s32 @p0 $0x1  }
0x13: {  	[smem:$0x3FB2] =	sst s0;
	s0 =	simm.s32 @!p1 $0x0  }
0x14: {  	s2 =	sld [smem:$0x3F96];
	s0 =	simm.s32 @p1 $0x1  }
0x15: {  	[smem:$0x3FB3] =	sst s0;
	s0 =	simm.s32 @!p2 $0x0  }
0x16: {  	s3 =	sld [smem:$0x3FDB];
	s0 =	simm.s32 @p2 $0x1  }
0x17: {  	s4 =	simm.s32 $0x1BF5;
	[smem:$0x3FB5] =	sst s0  }
0x18: {  	s0 =	sld [smem:$0x3F98];
	_ =	swait.ge [sflag:s4], $0x0  }
0x19: {  	s7 =	sld [smem:$0x3F99]  }
0x1a: {  	s8 =	sadd.s32 $0xFFFFE003, lr  }
0x1b: {  	s9 =	sadd.s32 $0xFFFFFEF7, lr;
	s5 =	simm.s32 $0xFFFFFFFF;
	p2 =	slt.u32 s8, $0xFFFFF086  }
0x1c: {  	p1 =	slt.u32 s9, $0xF7A;
	s5 =	simm.s32 @!p2 $0x0  }
0x1d: {  	s5 =	simm.s32 @p1 $0x1;
	p0 =	seq.s32 s7, s2  }
0x1e: {  	s7 =	smul.u32 @!p0 $0xF7A, s2;
	p2 =	seq.s32 @!p0 s5, $0x0  }
0x1f: {  	s9 =	smul.u32 $0xF7A, s1;
	s8 =	simm.s32 @!p0 $0x1BF5;
	p2 =	por !p2, p0  }
0x20: {  	[sflag:s8] =	ssyncset.s32 @!p0 $0xFFFFF086;
	s6 =	sadd.s32 @!p0 s3, s7;
	s7 =	simm.s32 @!p0 $0x108  }
0x21: {  	s3 =	sadd.s32 s3, s9;
	s6 =	sadd.s32 @!p0 $0x88, s6;
	s7 =	simm.s32 @p2 $0x1082  }
0x22: {  	[simem:s7], [sflag:s8] =	dma.local @!p0 [hbm:s6], $0xF7A  }
0x23: {  	s9 =	sor.u32 $0xD0000000, s2;
	s6 =	simm.s32 $0x108;
	_ =	swait.ge @!p0 [sflag:s8], $0x0  }
0x24: {  	s3 =	sadd.s32 $0x88, s3;
	s6 =	simm.s32 @!p1 $0x1082;
	[sflag:s4] =	ssyncset.s32 $0xFFFFF086  }
0x25: {  	[simem:s6], [sflag:s4] =	dma.local [hbm:s3], $0xF7A  }
0x26: {  	[smem:$0x3F99] =	sst s1;
	(tag) =	ssettag s2;
	_ =	strace s9  }
0x27: {  	s1 =	sld [smem:$0x3FA9]  }
0x28: {  	s2 =	sld [smem:$0x3FAA]  }
0x29: {  	s4 =	sld [smem:$0x3FAC]  }
0x2a: {  	p0 =	seq.s32 s5, $0x0;
	s5 =	sld [smem:$0x3FAD]  }
0x2b: {  	s6 =	sld [smem:$0x3FAE]  }
0x2c: {  	s7 =	sld [smem:$0x3FAF]  }
0x2d: {  	s3 =	simm.s32 $0x108;
	s8 =	sld [smem:$0x3FB0]  }
0x2e: {  	s3 =	simm.s32 @!p0 $0x1082;
	s9 =	sld [smem:$0x3FB1]  }
0x2f: {  	lr =	sadd.s32 s0, s3;
	s0 =	sld [smem:$0x3FA8]  }
0x30: {  	s3 =	sld [smem:$0x3FAB]  }
0x31: {  	[smem:$0x3FB4] =	sst s10  }
0x32: {  	s10 =	sld [smem:$0x3FB2];
	_ =	sdelay $0x3  }
0x33: {  	p0 =	seq.s32 s10, $0x1;
	s10 =	sld [smem:$0x3FB4];
	_ =	sdelay $0x3  }
0x34: {  	[smem:$0x3FB4] =	sst s10  }
0x35: {  	s10 =	sld [smem:$0x3FB3];
	_ =	sdelay $0x3  }
0x36: {  	p1 =	seq.s32 s10, $0x1;
	s10 =	sld [smem:$0x3FB4];
	_ =	sdelay $0x3  }
0x37: {  	[smem:$0x3FB4] =	sst s10  }
0x38: {  	s10 =	sld [smem:$0x3FB5]  }
0x39: {  	_ = 	snop;
	(pc) =	sbr.ind lr, $3  }
0x3a: {  	_ = 	snop  }
0x3b: {  	_ = 	snop  }
0x3c: {  	p2 =	seq.s32 s10, $0x1;
	s10 =	sld [smem:$0x3FB4]  }
0x3d: {  	_ =	shalt  }
0x3e: {  	_ =	shalt  }
0x3f: {  	_ =	shalt  }
0x40: {  	_ =	shalt  }
0x41: {  	_ =	shalt  }
0x42: {  	_ =	shalt  }
0x43: {  	_ =	shalt  }
0x44: {  	_ =	shalt  }
0x45: {  	_ =	shalt  }
0x46: {  	_ =	shalt  }
0x47: {  	_ =	shalt  }
0x48: {  	_ =	shalt  }
0x49: {  	_ =	shalt  }
0x4a: {  	_ =	shalt  }
0x4b: {  	_ =	shalt  }
0x4c: {  	_ =	shalt  }
0x4d: {  	_ =	shalt  }
0x4e: {  	_ =	shalt  }
0x4f: {  	_ =	shalt  }
0x50: {  	_ =	shalt  }
0x51: {  	_ =	shalt  }
0x52: {  	_ =	shalt  }
0x53: {  	_ =	shalt  }
0x54: {  	_ =	shalt  }
0x55: {  	_ =	shalt  }
0x56: {  	_ =	shalt  }
0x57: {  	_ =	shalt  }
0x58: {  	_ =	shalt  }
0x59: {  	_ =	shalt  }
0x5a: {  	_ =	shalt  }
0x5b: {  	_ =	shalt  }
0x5c: {  	_ =	shalt  }
0x5d: {  	_ =	shalt  }
0x5e: {  	_ =	shalt  }
0x5f: {  	_ =	shalt  }
0x60: {  	_ =	shalt  }
0x61: {  	_ =	shalt  }
0x62: {  	_ =	shalt  }
0x63: {  	_ =	shalt  }
0x64: {  	_ =	shalt  }
0x65: {  	_ =	shalt  }
0x66: {  	_ =	shalt  }
0x67: {  	_ =	shalt  }
0x68: {  	_ =	shalt  }
0x69: {  	_ =	shalt  }
0x6a: {  	_ =	shalt  }
0x6b: {  	_ =	shalt  }
0x6c: {  	_ =	shalt  }
0x6d: {  	_ =	shalt  }
0x6e: {  	_ =	shalt  }
0x6f: {  	_ =	shalt  }
0x70: {  	_ =	shalt  }
0x71: {  	_ =	shalt  }
0x72: {  	_ =	shalt  }
0x73: {  	_ =	shalt  }
0x74: {  	_ =	shalt  }
0x75: {  	_ =	shalt  }
0x76: {  	_ =	shalt  }
0x77: {  	_ =	shalt  }
0x78: {  	_ =	shalt  }
0x79: {  	_ =	shalt  }
0x7a: {  	_ =	shalt  }
0x7b: {  	_ =	shalt  }
0x7c: {  	_ =	shalt  }
0x7d: {  	_ =	shalt  }
0x7e: {  	_ =	shalt  }
0x7f: {  	_ =	shalt  }
0x80: {  	_ =	shalt  }
0x81: {  	_ =	shalt  }
0x82: {  	_ =	shalt  }
0x83: {  	_ =	shalt  }
0x84: {  	_ =	shalt  }
0x85: {  	_ =	shalt  }
0x86: {  	_ =	shalt  }
0x87: {  	_ =	shalt  }
.Lfunc_end0:
.L_simem_size_0:
called_computation_lowered:
.L_overlay_start_0:
0x88: {  	s2 =	sld [smem:$0x3FD9]  }
0x89: {  	s3 =	sld [smem:$0x3FFE];
	_ =	sdelay $0x1  }
0x8a: {  	s1 =	srdreg.scid  }
0x8b: {  	s0 =	sand.u32 $0x1, s1  }
0x8c: {  	s17 =	sshll.u32 s0, $0xA;
	s2 =	sadd.s32 s3, s2  }
0x8d: {  	s2 =	sadd.s32 s2, s17  }
0x8e: {  	[smem:$0x3FC0] =	sst s2  }
0x8f: {  	_ = 	snop  }
0x90: {  	s2 =	sld [smem:$0x3FC9]  }
0x91: {  	s18 =	sld [smem:$0x3FD0];
	(tm) =	ssettm $0x1  }
0x92: {  	s4 =	sld [smem:$0x3FFB];
	_ =	sdelay $0x3  }
0x93: {  	_ =	strace s4  }
0x94: {  	s4 =	sld [smem:$0x3FFC];
	_ =	sdelay $0x3  }
0x95: {  	_ =	strace s4  }
0x96: {  	s4 =	sld [smem:$0x3FFD];
	_ =	sdelay $0x3  }
0x97: {  	_ =	strace s4  }
0x98: {  	_ =	strace $0x8FFFFFFF  }
0x99: {  	s19 =	sld [smem:$0x3FDB];
	_ =	sdelay $0x1  }
0x9a: {  	s5 =	simm.s32 $_scs_section_size  }
0x9b: {  	s6 =	simm.s32 $_size__tile_overlayer_lowered;
	s7 =	simm.s32 $_tile_overlayer_lowered  }
0x9c: {  	s22 =	simm.s32 $0x1BFF;
	s21 =	sshll.u32 s7, $0x1;
	s4 =	sadd.s32 s5, s19  }
0x9d: {  	s8 =	simm.s32 $0x0;
	s20 =	sshll.u32 s6, $0x1;
	s6 =	sadd.s32 s21, s4  }
0x9e: {  	[timem:s8], [sflag:s22] =	dma.local [hbm:s6], s20  }
0x9f: {  	_ =	swait.ge [sflag:s22], s20  }
0xa0: {  	s5 =	ssub.s32 $0x0, s20;
	[sflag:s22] =	ssyncset.done $0x0  }
0xa1: {  	[sflag:s22] =	ssyncadd.s32 s5;
	_ =	sdelay $0x1  }
0xa2: {  	s23 =	simm.s32 $0x1B8B  }
0xa3: {  	_ =	swait.ge [sflag:s23], $0x1  }
0xa4: {  	[sflag:s23] =	ssyncset.done $0x0  }
0xa5: {  	s25 =	simm.s32 $0x1B8E;
	s24 =	sld [smem:$0x3FFE];
	[sflag:s23] =	ssyncadd.s32 $0xFFFFFFFF  }
0xa6: {  	s26 =	simm.s32 $execute0_lowered;
	[smem:$0x3FD2] =	sst s25  }
0xa7: {  	s6 =	sshll.u32 s26, $0x1;
	_ =	strace $0x80000046;
	[dreg:$0x1] =	wrdreg $0xFFFFFFFF  }
0xa8: {  	s28 =	simm.s32 $_size_execute0_lowered;
	s4 =	sadd.s32 s4, s6;
	[dreg:$0x0] =	wrdreg $0x0  }
0xa9: {  	s6 =	sshll.u32 s28, $0x1;
	[dreg:$0x2] =	wrdreg s4  }
0xaa: {  	[dreg:$0x3] =	wrdreg s6  }
0xab: {  	[dreg:$0x4] =	wrdreg $0xC0  }
0xac: {  	_ =	task [dreg:s8], $0x5FFFF  }
0xad: {  	[dreg:$0x1] =	wrdreg $0xFFFFFFFF  }
0xae: {  	[dreg:$0x0] =	wrdreg $0x60  }
0xaf: {  	[dreg:$0x2] =	wrdreg s2  }
0xb0: {  	[dreg:$0x3] =	wrdreg s18  }
0xb1: {  	[dreg:$0x4] =	wrdreg s24  }
0xb2: {  	[dreg:$0x5] =	wrdreg $0x9  }
0xb3: {  	_ =	task.clear_ibuf [dreg:s8], $0x6FFFF;
	_ =	strace $0x90000046  }
0xb4: {  	s29 =	simm.s32 $0x9;
	_ =	strace $0x80000048  }
0xb5: {  	_ =	swait.ge [sflag:s29], $0x1  }
0xb6: {  	[sflag:s29] =	ssyncadd.s32 $0xFFFFFFFF  }
0xb7: {  	_ =	strace $0x90000048  }
0xb8: {  	_ =	sfence  }
0xb9: {  	s30 =	sld [smem:$0x0];
	_ =	sdelay $0x2  }
0xba: {  	s31 =	sshll.u32 s1, $0xD;
	s1 =	sshrl.u32 s1, $0x2  }
0xbb: {  	s3 =	sand.u32 $0x4000, s31;
	s1 =	sadd.s32 s1, s30  }
0xbc: {  	s0 =	sor.u32 s3, s0;
	s1 =	sshll.u32 s1, $0x11  }
0xbd: {  	s0 =	sor.u32 s1, s0  }
0xbe: {  	s0 =	sadd.s32 $0x8F2B, s0  }
0xbf: {  	[sflag:s0] =	ssyncadd.remote.s32 $0x1  }
0xc0: {  	_ =	sfence.sel $0xFFFF  }
0xc1: {  	[dreg:$0x0] =	wrdreg $0xFFFFFFFF;
	(pc) =	sbr.abs _section_cstart, $3  }
0xc2: {  	[dreg:$0x1] =	wrdreg $0xFFFFFFFF  }
0xc3: {  	_ =	task.clear_ibuf [dreg:s8], $0x2FFFF;
	_ =	strace $0x9FFFFFFF  }
0xc4: {  	(tm) =	ssettm $0x7FFFFFFF  }
0xc5: {  	_ =	shalt  }
tec
execute0_lowered:
.L_overlay_start_1:
0x0: {  	(tag) =	ssettag $0x1  }
0x1: {  	s0 =	rddreg [dreg:$0x0]  }
0x2: {  	s1 =	srdreg.scid;
	s4 =	rddreg [dreg:$0x1]  }
0x3: {  	s2 =	stileid.u32;
	s6 =	rddreg [dreg:$0x2];
	s9 =	simm.s32 $0x2  }
0x4: {  	s18 =	simm.s32 $0x1;
	s20 =	simm.s32 $0x880;
	s21 =	simm.s32 $0x1080  }
0x5: {  	s22 =	simm.s32 $0x1880;
	s23 =	simm.s32 $0x2080;
	s28 =	simm.s32 $0x4080  }
0x6: {  	s29 =	simm.s32 $0x4880;
	s30 =	simm.s32 $0x5080;
	s31 =	simm.s32 $0x5880  }
0x7: {  	s10 =	simm.s32 $0x7080;
	s11 =	simm.s32 $0x7880;
	s12 =	simm.s32 $0x8080  }
0x8: {  	s13 =	simm.s32 $0x8880;
	s14 =	simm.s32 $0x9080;
	s15 =	simm.s32 $0x9880  }
0x9: {  	s16 =	simm.s32 $0xA080;
	s17 =	simm.s32 $0xA880;
	s1 =	sand.u32 $0x1, s1  }
0xa: {  	s3 =	sshll.u32 s2, $0x7;
	s2 =	simm.s32 $0x0;
	s5 =	sshll.u32 s1, $0x6  }
0xb: {  	[smem:$0x7FF] =	sst s2;
	s1 =	ssub.s32 $0x2, s1;
	s3 =	sor.u32 s5, s3  }
0xc: {  	_ =	strace $0x80000047;
	s24 =	sshrl.u32 s1, $0x1;
	s5 =	sshrl.u32 s3, $0x3  }
0xd: {  	s8 =	sshll.u32 s3, $0x7;
	s3 =	sadd.s32 $0x2A00, s6;
	s1 =	ssub.s32 s1, s24  }
0xe: {  	s24 =	simm.s32 $0x2880;
	s7 =	sadd.s32 s5, s6;
	s0 =	sadd.s32 s0, s8  }
0xf: {  	s25 =	sadd.s32 s4, s5;
	s4 =	sadd.s32 $0x2B00, s6;
	[dreg:$0x4] =	wrdreg s0  }
0x10: {  	v2 =	vlaneseq.u32;
	s5 =	sadd.s32 $0x2C00, s6;
	s6 =	sadd.s32 $0x2D00, s6;
	[dreg:$0x5] =	wrdreg s25  }
0x11: {  	vm0 =	vmmov $0xffff;
	v1 =	vshrl.u32 v2, $0x3;
	s26 =	sadd.s32 $0x2800, s7;
	s7 =	smax.u32 s1, $0x1;
	s25 =	simm.s32 $0x3080  }
0x12: {  	v0 =	vand.u32 $0x7, v2;
	v2 =	vor.u32 $0x8, v2;
	v1 =	vmul.u32 $0x8, v1;
	s1 =	simm.s32 $0x6080;
	[dreg:$0x6] =	wrdreg s26;
	s26 =	simm.s32 $0x3880  }
.LBB2_1:
0x13: {  	s19 =	rddreg [dreg:$0x4];
	s0 =	simm.s32 $0x80  }
0x14: {  	[tilespmem:s0], [sflag:$0x2] =	stream.linear.gather [hbm4b:s19+s2], $0x10000, $0x38;
	[tilespmem:$0x10080] =	vst v63  }
0x15: {  	_ =	swait.ge [sflag:s9], $0x10000  }
0x16: {  	[sflag:s9] =	ssyncset.done $0x0  }
0x17: {  	s8 =	rddreg [dreg:$0x5];
	[sflag:s9] =	ssyncadd.s32 $0xFFFF0000  }
0x18: {  	[tilespmem:s2], [sflag:$0x2] =	stream.linear.gather [hbm4b:s8+s2], $0x40, $0x38;
	[tilespmem:$0x10080] =	vst v63  }
0x19: {  	_ =	swait.ge [sflag:s9], $0x40  }
0x1a: {  	[sflag:s9] =	ssyncset.done $0x0  }
0x1b: {  	[sflag:s9] =	ssyncadd.s32 $0xFFFFFFC0  }
0x1c: {  	v3 =	vld [tilespmem:$0x0];
	_ =	sdelay $0x4  }
0x1d: {  	v4 =	vshll.u32 v3, $0x3  }
0x1e: {  	v3 =	vand.u32 $0x7, v3;
	v4 =	vand.u32 $0xFFFFFFC0, v4  }
0x1f: {  	v3 =	vor.u32 v3, v4  }
0x20: {  	v4 =	vperm.xlane v3, v0;
	_ =	sdelay $0x1  }
0x21: {  	v4 =	vadd.s32 v1, v4;
	_ =	sdelay $0x4  }
0x22: {  	[hbm4b:s3+s2] =	stream.indirect_vreg.scatter [tilespmem:s0], [sflag:$0x1], $0x80, v4, vm0, $0xb8;
	[tilespmem:$0x10080] =	vst v63  }
0x23: {  	v3 =	vperm.xlane v3, v2  }
0x24: {  	[hbm4b:s4+s2] =	stream.indirect_vreg.scatter [tilespmem:s20], [sflag:$0x1], $0x80, v4, vm0, $0xb8;
	[tilespmem:$0x10080] =	vst v63  }
0x25: {  	v3 =	vadd.s32 v1, v3  }
0x26: {  	[hbm4b:s5+s2] =	stream.indirect_vreg.scatter [tilespmem:s21], [sflag:$0x1], $0x80, v4, vm0, $0xb8;
	[tilespmem:$0x10080] =	vst v63  }
0x27: {  	_ = 	snop  }
0x28: {  	[hbm4b:s6+s2] =	stream.indirect_vreg.scatter [tilespmem:s22], [sflag:$0x1], $0x80, v4, vm0, $0xb8;
	[tilespmem:$0x10080] =	vst v63  }
0x29: {  	_ = 	snop  }
0x2a: {  	[hbm4b:s3+s2] =	stream.indirect_vreg.scatter [tilespmem:s23], [sflag:$0x1], $0x80, v3, vm0, $0xb8;
	[tilespmem:$0x10080] =	vst v63  }
0x2b: {  	_ = 	snop  }
0x2c: {  	[hbm4b:s4+s2] =	stream.indirect_vreg.scatter [tilespmem:s24], [sflag:$0x1], $0x80, v3, vm0, $0xb8;
	[tilespmem:$0x10080] =	vst v63  }
0x2d: {  	_ = 	snop  }
0x2e: {  	[hbm4b:s5+s2] =	stream.indirect_vreg.scatter [tilespmem:s25], [sflag:$0x1], $0x80, v3, vm0, $0xb8;
	[tilespmem:$0x10080] =	vst v63  }
0x2f: {  	_ = 	snop  }
0x30: {  	[hbm4b:s6+s2] =	stream.indirect_vreg.scatter [tilespmem:s26], [sflag:$0x1], $0x80, v3, vm0, $0xb8;
	[tilespmem:$0x10080] =	vst v63  }
0x31: {  	v3 =	vld [tilespmem:$0x10];
	_ =	sdelay $0x4  }
0x32: {  	v57 =	vshll.u32 v3, $0x3  }
0x33: {  	v3 =	vand.u32 $0x7, v3;
	v4 =	vand.u32 $0xFFFFFFC0, v57  }
0x34: {  	v3 =	vor.u32 v3, v4  }
0x35: {  	v4 =	vperm.xlane v3, v0;
	_ =	sdelay $0x1  }
0x36: {  	v4 =	vadd.s32 v1, v4;
	_ =	sdelay $0x4  }
0x37: {  	[hbm4b:s3+s2] =	stream.indirect_vreg.scatter [tilespmem:s28], [sflag:$0x1], $0x80, v4, vm0, $0xb8;
	[tilespmem:$0x10080] =	vst v63  }
0x38: {  	v3 =	vperm.xlane v3, v2  }
0x39: {  	[hbm4b:s4+s2] =	stream.indirect_vreg.scatter [tilespmem:s29], [sflag:$0x1], $0x80, v4, vm0, $0xb8;
	[tilespmem:$0x10080] =	vst v63  }
0x3a: {  	v3 =	vadd.s32 v1, v3  }
0x3b: {  	[hbm4b:s5+s2] =	stream.indirect_vreg.scatter [tilespmem:s30], [sflag:$0x1], $0x80, v4, vm0, $0xb8;
	[tilespmem:$0x10080] =	vst v63  }
0x3c: {  	_ = 	snop  }
0x3d: {  	[hbm4b:s6+s2] =	stream.indirect_vreg.scatter [tilespmem:s31], [sflag:$0x1], $0x80, v4, vm0, $0xb8;
	[tilespmem:$0x10080] =	vst v63  }
0x3e: {  	_ = 	snop  }
0x3f: {  	[hbm4b:s3+s2] =	stream.indirect_vreg.scatter [tilespmem:s1], [sflag:$0x1], $0x80, v3, vm0, $0xb8;
	[tilespmem:$0x10080] =	vst v63  }
0x40: {  	s8 =	simm.s32 $0x6880  }
0x41: {  	[hbm4b:s4+s2] =	stream.indirect_vreg.scatter [tilespmem:s8], [sflag:$0x1], $0x80, v3, vm0, $0xb8;
	[tilespmem:$0x10080] =	vst v63  }
0x42: {  	_ = 	snop  }
0x43: {  	[hbm4b:s5+s2] =	stream.indirect_vreg.scatter [tilespmem:s10], [sflag:$0x1], $0x80, v3, vm0, $0xb8;
	[tilespmem:$0x10080] =	vst v63  }
0x44: {  	_ = 	snop  }
0x45: {  	[hbm4b:s6+s2] =	stream.indirect_vreg.scatter [tilespmem:s11], [sflag:$0x1], $0x80, v3, vm0, $0xb8;
	[tilespmem:$0x10080] =	vst v63  }
0x46: {  	v3 =	vld [tilespmem:$0x20];
	_ =	sdelay $0x4  }
0x47: {  	v58 =	vshll.u32 v3, $0x3  }
0x48: {  	v3 =	vand.u32 $0x7, v3;
	v4 =	vand.u32 $0xFFFFFFC0, v58  }
0x49: {  	v3 =	vor.u32 v3, v4  }
0x4a: {  	v4 =	vperm.xlane v3, v0;
	_ =	sdelay $0x1  }
0x4b: {  	v4 =	vadd.s32 v1, v4;
	_ =	sdelay $0x4  }
0x4c: {  	[hbm4b:s3+s2] =	stream.indirect_vreg.scatter [tilespmem:s12], [sflag:$0x1], $0x80, v4, vm0, $0xb8;
	[tilespmem:$0x10080] =	vst v63  }
0x4d: {  	v3 =	vperm.xlane v3, v2  }
0x4e: {  	[hbm4b:s4+s2] =	stream.indirect_vreg.scatter [tilespmem:s13], [sflag:$0x1], $0x80, v4, vm0, $0xb8;
	[tilespmem:$0x10080] =	vst v63  }
0x4f: {  	v3 =	vadd.s32 v1, v3  }
0x50: {  	[hbm4b:s5+s2] =	stream.indirect_vreg.scatter [tilespmem:s14], [sflag:$0x1], $0x80, v4, vm0, $0xb8;
	[tilespmem:$0x10080] =	vst v63  }
0x51: {  	_ = 	snop  }
0x52: {  	[hbm4b:s6+s2] =	stream.indirect_vreg.scatter [tilespmem:s15], [sflag:$0x1], $0x80, v4, vm0, $0xb8;
	[tilespmem:$0x10080] =	vst v63  }
0x53: {  	_ = 	snop  }
0x54: {  	[hbm4b:s3+s2] =	stream.indirect_vreg.scatter [tilespmem:s16], [sflag:$0x1], $0x80, v3, vm0, $0xb8;
	[tilespmem:$0x10080] =	vst v63  }
0x55: {  	_ = 	snop  }
0x56: {  	[hbm4b:s4+s2] =	stream.indirect_vreg.scatter [tilespmem:s17], [sflag:$0x1], $0x80, v3, vm0, $0xb8;
	[tilespmem:$0x10080] =	vst v63  }
0x57: {  	s8 =	simm.s32 $0xB080  }
0x58: {  	[hbm4b:s5+s2] =	stream.indirect_vreg.scatter [tilespmem:s8], [sflag:$0x1], $0x80, v3, vm0, $0xb8;
	[tilespmem:$0x10080] =	vst v63  }
0x59: {  	s19 =	simm.s32 $0xB880  }
0x5a: {  	[hbm4b:s6+s2] =	stream.indirect_vreg.scatter [tilespmem:s19], [sflag:$0x1], $0x80, v3, vm0, $0xb8;
	[tilespmem:$0x10080] =	vst v63  }
0x5b: {  	v3 =	vld [tilespmem:$0x30];
	_ =	sdelay $0x4  }
0x5c: {  	v59 =	vshll.u32 v3, $0x3  }
0x5d: {  	v3 =	vand.u32 $0x7, v3;
	v4 =	vand.u32 $0xFFFFFFC0, v59  }
0x5e: {  	v3 =	vor.u32 v3, v4  }
0x5f: {  	v4 =	vperm.xlane v3, v0;
	_ =	sdelay $0x1  }
0x60: {  	v4 =	vadd.s32 v1, v4;
	_ =	sdelay $0x3  }
0x61: {  	s19 =	simm.s32 $0xC080  }
0x62: {  	[hbm4b:s3+s2] =	stream.indirect_vreg.scatter [tilespmem:s19], [sflag:$0x1], $0x80, v4, vm0, $0xb8;
	[tilespmem:$0x10080] =	vst v63  }
0x63: {  	v3 =	vperm.xlane v3, v2;
	s19 =	simm.s32 $0xC880  }
0x64: {  	[hbm4b:s4+s2] =	stream.indirect_vreg.scatter [tilespmem:s19], [sflag:$0x1], $0x80, v4, vm0, $0xb8;
	[tilespmem:$0x10080] =	vst v63  }
0x65: {  	v3 =	vadd.s32 v1, v3;
	s19 =	simm.s32 $0xD080  }
0x66: {  	[hbm4b:s5+s2] =	stream.indirect_vreg.scatter [tilespmem:s19], [sflag:$0x1], $0x80, v4, vm0, $0xb8;
	[tilespmem:$0x10080] =	vst v63  }
0x67: {  	s19 =	simm.s32 $0xD880  }
0x68: {  	[hbm4b:s6+s2] =	stream.indirect_vreg.scatter [tilespmem:s19], [sflag:$0x1], $0x80, v4, vm0, $0xb8;
	[tilespmem:$0x10080] =	vst v63  }
0x69: {  	s19 =	simm.s32 $0xE080  }
0x6a: {  	[hbm4b:s3+s2] =	stream.indirect_vreg.scatter [tilespmem:s19], [sflag:$0x1], $0x80, v3, vm0, $0xb8;
	[tilespmem:$0x10080] =	vst v63  }
0x6b: {  	s19 =	simm.s32 $0xE880  }
0x6c: {  	[hbm4b:s4+s2] =	stream.indirect_vreg.scatter [tilespmem:s19], [sflag:$0x1], $0x80, v3, vm0, $0xb8;
	[tilespmem:$0x10080] =	vst v63  }
0x6d: {  	s19 =	simm.s32 $0xF080  }
0x6e: {  	[hbm4b:s5+s2] =	stream.indirect_vreg.scatter [tilespmem:s19], [sflag:$0x1], $0x80, v3, vm0, $0xb8;
	[tilespmem:$0x10080] =	vst v63  }
0x6f: {  	s19 =	simm.s32 $0xF880  }
0x70: {  	[hbm4b:s6+s2] =	stream.indirect_vreg.scatter [tilespmem:s19], [sflag:$0x1], $0x80, v3, vm0, $0xb8;
	[tilespmem:$0x10080] =	vst v63  }
0x71: {  	_ =	swait.ge [sflag:s18], $0x10000  }
0x72: {  	[sflag:s18] =	ssyncset.done $0x0  }
0x73: {  	s19 =	rddreg [dreg:$0x6];
	[sflag:s18] =	ssyncadd.s32 $0xFFFF0000  }
0x74: {  	[tilespmem:s2], [sflag:$0x2] =	stream.linear.gather [hbm4b:s19+s2], $0x40, $0x38;
	[tilespmem:$0x10080] =	vst v63  }
0x75: {  	_ =	swait.ge [sflag:s9], $0x40  }
0x76: {  	[sflag:s9] =	ssyncset.done $0x0  }
0x77: {  	[sflag:s9] =	ssyncadd.s32 $0xFFFFFFC0  }
0x78: {  	v3 =	vld [tilespmem:$0x0];
	_ =	sdelay $0x4  }
0x79: {  	v60 =	vshll.u32 v3, $0x3  }
0x7a: {  	v3 =	vand.u32 $0x7, v3;
	v4 =	vand.u32 $0xFFFFFFC0, v60  }
0x7b: {  	v3 =	vor.u32 v3, v4  }
0x7c: {  	v4 =	vperm.xlane v3, v0;
	_ =	sdelay $0x1  }
0x7d: {  	v4 =	vadd.s32 v1, v4;
	_ =	sdelay $0x4  }
0x7e: {  	[hbm4b:s3+s2] =	stream.indirect_vreg.scatter [tilespmem:s0], [sflag:$0x1], $0x80, v4, vm0, $0xb8;
	[tilespmem:$0x10080] =	vst v63  }
0x7f: {  	v3 =	vperm.xlane v3, v2  }
0x80: {  	[hbm4b:s4+s2] =	stream.indirect_vreg.scatter [tilespmem:s20], [sflag:$0x1], $0x80, v4, vm0, $0xb8;
	[tilespmem:$0x10080] =	vst v63  }
0x81: {  	v3 =	vadd.s32 v1, v3  }
0x82: {  	[hbm4b:s5+s2] =	stream.indirect_vreg.scatter [tilespmem:s21], [sflag:$0x1], $0x80, v4, vm0, $0xb8;
	[tilespmem:$0x10080] =	vst v63  }
0x83: {  	_ = 	snop  }
0x84: {  	[hbm4b:s6+s2] =	stream.indirect_vreg.scatter [tilespmem:s22], [sflag:$0x1], $0x80, v4, vm0, $0xb8;
	[tilespmem:$0x10080] =	vst v63  }
0x85: {  	_ = 	snop  }
0x86: {  	[hbm4b:s3+s2] =	stream.indirect_vreg.scatter [tilespmem:s23], [sflag:$0x1], $0x80, v3, vm0, $0xb8;
	[tilespmem:$0x10080] =	vst v63  }
0x87: {  	_ = 	snop  }
0x88: {  	[hbm4b:s4+s2] =	stream.indirect_vreg.scatter [tilespmem:s24], [sflag:$0x1], $0x80, v3, vm0, $0xb8;
	[tilespmem:$0x10080] =	vst v63  }
0x89: {  	_ = 	snop  }
0x8a: {  	[hbm4b:s5+s2] =	stream.indirect_vreg.scatter [tilespmem:s25], [sflag:$0x1], $0x80, v3, vm0, $0xb8;
	[tilespmem:$0x10080] =	vst v63  }
0x8b: {  	_ = 	snop  }
0x8c: {  	[hbm4b:s6+s2] =	stream.indirect_vreg.scatter [tilespmem:s26], [sflag:$0x1], $0x80, v3, vm0, $0xb8;
	[tilespmem:$0x10080] =	vst v63  }
0x8d: {  	v3 =	vld [tilespmem:$0x10];
	_ =	sdelay $0x4  }
0x8e: {  	v61 =	vshll.u32 v3, $0x3  }
0x8f: {  	v3 =	vand.u32 $0x7, v3;
	v4 =	vand.u32 $0xFFFFFFC0, v61  }
0x90: {  	v3 =	vor.u32 v3, v4  }
0x91: {  	v4 =	vperm.xlane v3, v0;
	_ =	sdelay $0x1  }
0x92: {  	v4 =	vadd.s32 v1, v4;
	_ =	sdelay $0x4  }
0x93: {  	[hbm4b:s3+s2] =	stream.indirect_vreg.scatter [tilespmem:s28], [sflag:$0x1], $0x80, v4, vm0, $0xb8;
	[tilespmem:$0x10080] =	vst v63  }
0x94: {  	v3 =	vperm.xlane v3, v2  }
0x95: {  	[hbm4b:s4+s2] =	stream.indirect_vreg.scatter [tilespmem:s29], [sflag:$0x1], $0x80, v4, vm0, $0xb8;
	[tilespmem:$0x10080] =	vst v63  }
0x96: {  	v3 =	vadd.s32 v1, v3  }
0x97: {  	[hbm4b:s5+s2] =	stream.indirect_vreg.scatter [tilespmem:s30], [sflag:$0x1], $0x80, v4, vm0, $0xb8;
	[tilespmem:$0x10080] =	vst v63  }
0x98: {  	_ = 	snop  }
0x99: {  	[hbm4b:s6+s2] =	stream.indirect_vreg.scatter [tilespmem:s31], [sflag:$0x1], $0x80, v4, vm0, $0xb8;
	[tilespmem:$0x10080] =	vst v63  }
0x9a: {  	_ = 	snop  }
0x9b: {  	[hbm4b:s3+s2] =	stream.indirect_vreg.scatter [tilespmem:s1], [sflag:$0x1], $0x80, v3, vm0, $0xb8;
	[tilespmem:$0x10080] =	vst v63  }
0x9c: {  	s19 =	simm.s32 $0x6880  }
0x9d: {  	[hbm4b:s4+s2] =	stream.indirect_vreg.scatter [tilespmem:s19], [sflag:$0x1], $0x80, v3, vm0, $0xb8;
	[tilespmem:$0x10080] =	vst v63  }
0x9e: {  	_ = 	snop  }
0x9f: {  	[hbm4b:s5+s2] =	stream.indirect_vreg.scatter [tilespmem:s10], [sflag:$0x1], $0x80, v3, vm0, $0xb8;
	[tilespmem:$0x10080] =	vst v63  }
0xa0: {  	_ = 	snop  }
0xa1: {  	[hbm4b:s6+s2] =	stream.indirect_vreg.scatter [tilespmem:s11], [sflag:$0x1], $0x80, v3, vm0, $0xb8;
	[tilespmem:$0x10080] =	vst v63  }
0xa2: {  	v3 =	vld [tilespmem:$0x20];
	_ =	sdelay $0x4  }
0xa3: {  	v62 =	vshll.u32 v3, $0x3  }
0xa4: {  	v3 =	vand.u32 $0x7, v3;
	v4 =	vand.u32 $0xFFFFFFC0, v62  }
0xa5: {  	v3 =	vor.u32 v3, v4  }
0xa6: {  	v4 =	vperm.xlane v3, v0;
	_ =	sdelay $0x1  }
0xa7: {  	v4 =	vadd.s32 v1, v4;
	_ =	sdelay $0x4  }
0xa8: {  	[hbm4b:s3+s2] =	stream.indirect_vreg.scatter [tilespmem:s12], [sflag:$0x1], $0x80, v4, vm0, $0xb8;
	[tilespmem:$0x10080] =	vst v63  }
0xa9: {  	v3 =	vperm.xlane v3, v2  }
0xaa: {  	[hbm4b:s4+s2] =	stream.indirect_vreg.scatter [tilespmem:s13], [sflag:$0x1], $0x80, v4, vm0, $0xb8;
	[tilespmem:$0x10080] =	vst v63  }
0xab: {  	v3 =	vadd.s32 v1, v3  }
0xac: {  	[hbm4b:s5+s2] =	stream.indirect_vreg.scatter [tilespmem:s14], [sflag:$0x1], $0x80, v4, vm0, $0xb8;
	[tilespmem:$0x10080] =	vst v63  }
0xad: {  	_ = 	snop  }
0xae: {  	[hbm4b:s6+s2] =	stream.indirect_vreg.scatter [tilespmem:s15], [sflag:$0x1], $0x80, v4, vm0, $0xb8;
	[tilespmem:$0x10080] =	vst v63  }
0xaf: {  	_ = 	snop  }
0xb0: {  	[hbm4b:s3+s2] =	stream.indirect_vreg.scatter [tilespmem:s16], [sflag:$0x1], $0x80, v3, vm0, $0xb8;
	[tilespmem:$0x10080] =	vst v63  }
0xb1: {  	_ = 	snop  }
0xb2: {  	[hbm4b:s4+s2] =	stream.indirect_vreg.scatter [tilespmem:s17], [sflag:$0x1], $0x80, v3, vm0, $0xb8;
	[tilespmem:$0x10080] =	vst v63  }
0xb3: {  	_ = 	snop  }
0xb4: {  	[hbm4b:s5+s2] =	stream.indirect_vreg.scatter [tilespmem:s8], [sflag:$0x1], $0x80, v3, vm0, $0xb8;
	[tilespmem:$0x10080] =	vst v63  }
0xb5: {  	s19 =	simm.s32 $0xB880  }
0xb6: {  	[hbm4b:s6+s2] =	stream.indirect_vreg.scatter [tilespmem:s19], [sflag:$0x1], $0x80, v3, vm0, $0xb8;
	[tilespmem:$0x10080] =	vst v63  }
0xb7: {  	v3 =	vld [tilespmem:$0x30];
	_ =	sdelay $0x4  }
0xb8: {  	v63 =	vshll.u32 v3, $0x3  }
0xb9: {  	v3 =	vand.u32 $0x7, v3;
	v4 =	vand.u32 $0xFFFFFFC0, v63  }
0xba: {  	v3 =	vor.u32 v3, v4  }
0xbb: {  	v4 =	vperm.xlane v3, v0;
	_ =	sdelay $0x1  }
0xbc: {  	v4 =	vadd.s32 v1, v4;
	_ =	sdelay $0x3  }
0xbd: {  	s8 =	simm.s32 $0xC080  }
0xbe: {  	[hbm4b:s3+s2] =	stream.indirect_vreg.scatter [tilespmem:s8], [sflag:$0x1], $0x80, v4, vm0, $0xb8;
	[tilespmem:$0x10080] =	vst v63  }
0xbf: {  	s19 =	simm.s32 $0xC880;
	v3 =	vperm.xlane v3, v2  }
0xc0: {  	[hbm4b:s4+s2] =	stream.indirect_vreg.scatter [tilespmem:s19], [sflag:$0x1], $0x80, v4, vm0, $0xb8;
	[tilespmem:$0x10080] =	vst v63  }
0xc1: {  	v3 =	vadd.s32 v1, v3;
	s8 =	simm.s32 $0xD080  }
0xc2: {  	[hbm4b:s5+s2] =	stream.indirect_vreg.scatter [tilespmem:s8], [sflag:$0x1], $0x80, v4, vm0, $0xb8;
	[tilespmem:$0x10080] =	vst v63  }
0xc3: {  	s19 =	simm.s32 $0xD880  }
0xc4: {  	[hbm4b:s6+s2] =	stream.indirect_vreg.scatter [tilespmem:s19], [sflag:$0x1], $0x80, v4, vm0, $0xb8;
	[tilespmem:$0x10080] =	vst v63  }
0xc5: {  	s8 =	simm.s32 $0xE080  }
0xc6: {  	[hbm4b:s3+s2] =	stream.indirect_vreg.scatter [tilespmem:s8], [sflag:$0x1], $0x80, v3, vm0, $0xb8;
	[tilespmem:$0x10080] =	vst v63  }
0xc7: {  	s19 =	simm.s32 $0xE880  }
0xc8: {  	[hbm4b:s4+s2] =	stream.indirect_vreg.scatter [tilespmem:s19], [sflag:$0x1], $0x80, v3, vm0, $0xb8;
	[tilespmem:$0x10080] =	vst v63  }
0xc9: {  	p0 =	sne.s32 s7, $0x1;
	s8 =	simm.s32 $0xF080  }
0xca: {  	[hbm4b:s5+s2] =	stream.indirect_vreg.scatter [tilespmem:s8], [sflag:$0x1], $0x80, v3, vm0, $0xb8;
	[tilespmem:$0x10080] =	vst v63  }
.Ltmp0:
0xcb: {  	s19 =	simm.s32 $0xF880;
	(pc) =	sbr.rel @p0 .LBB2_1-.Ltmp0, $4  }
0xcc: {  	[hbm4b:s6+s2] =	stream.indirect_vreg.scatter [tilespmem:s19], [sflag:$0x1], $0x80, v3, vm0, $0xb8;
	[tilespmem:$0x10080] =	vst v63  }
0xcd: {  	_ =	swait.ge [sflag:s18], $0x10000  }
0xce: {  	[sflag:s18] =	ssyncset.done $0x0  }
0xcf: {  	s7 =	sadd.s32 $0xFFFFFFFF, s7;
	[sflag:s18] =	ssyncadd.s32 $0xFFFF0000  }
0xd0: {  	_ =	sfence.sel $0x180000  }
0xd1: {  	[bflag:$0x0] =	sbarrier.arrive $0xFFFF  }
0xd2: {  	_ =	strace $0x90000047  }
0xd3: {  	s0 =	stileid.u32;
	[bflag:$0x2] =	sbarrier.arrive $0xFFFF  }
0xd4: {  	p0 =	sne.s32 s0, $0x0;
	s0 =	rddreg [dreg:$0x3]  }
0xd5: {  	s0 =	sadd.s32 @!p0 $0x100000, s0  }
0xd6: {  	[sflag:s0] =	ssyncadd.tile.s32 @!p0 $0x1;
	_ =	shalt  }
.Lfunc_end2:
_tile_overlayer_lowered:
.L_overlay_start_2:
0xd7: {  	(tag) =	ssettag $0x2  }
0xd8: {  	s0 =	rddreg [dreg:$0x0];
	s2 =	stileid.u32  }
0xd9: {  	s1 =	rddreg [dreg:$0x1];
	p0 =	sne.s32 s2, $0x0  }
0xda: {  	s3 =	rddreg [dreg:$0x2];
	[bflag:$0x3] =	sbarrier.arrive $0xFFFF;
	s2 =	simm.s32 @!p0 $0x1C02  }
0xdb: {  	[timem:s3], [sflag:s2] =	dma.local @!p0 [hbm:s0], s1  }
0xdc: {  	s0 =	simm.s32 @!p0 $0x2  }
0xdd: {  	_ =	swait.ge @!p0 [sflag:s0], s1  }
0xde: {  	s1 =	ssub.s32 @!p0 $0x0, s1;
	[sflag:s0] =	ssyncset.done @!p0 $0x0  }
0xdf: {  	[sflag:s0] =	ssyncadd.s32 @!p0 s1  }
0xe0: {  	[bflag:$0x3] =	sbarrier.arrive $0xFFFF  }
0xe1: {  	_ =	shalt  }

</sc_bundles>
